<compile_context>
chip_gen: v7x
topology: tpu7x:2x2x1
jax: 0.10.2.dev20260603
libtpu: 0.0.44.dev20260713+nightly
codegen_flags: <defaults>
</compile_context>

<pallas_src>
import functools

import jax
import jax.numpy as jnp
from jax import lax
from jax.experimental import pallas as pl
from jax.experimental.pallas import tpu as pltpu
from jax.experimental.pallas import tpu_sc as plsc

_D = 4096
_K = 64
_NTILES = 16
_ROWS = _K // _NTILES
_LANES = 16
_CHUNKS = _D // _LANES


def _rsqrt_f32(x):
    x = jnp.maximum(x, jnp.float32(1e-24))
    i = lax.bitcast_convert_type(x, jnp.int32)
    i = jnp.int32(0x5F3759DF) - lax.shift_right_logical(i, 1)
    y = lax.bitcast_convert_type(i, jnp.float32)
    for _ in range(3):
        y = y * (jnp.float32(1.5) - jnp.float32(0.5) * x * y * y)
    return y


_mesh = plsc.VectorSubcoreMesh(
    core_axis_name="c", subcore_axis_name="s", num_cores=1
)


@functools.partial(
    pl.kernel,
    out_type=(
        jax.ShapeDtypeStruct((80,), jnp.float32),
        jax.ShapeDtypeStruct((16,), jnp.int32),
        jax.ShapeDtypeStruct((_NTILES, 2, _LANES), jnp.float32),
    ),
    mesh=_mesh,
    compiler_params=pltpu.CompilerParams(needs_layout_passes=False),
    scratch_types=[
        pltpu.VMEM((_D,), jnp.float32),
        pltpu.VMEM((_ROWS, _D), jnp.float32),
        pltpu.VMEM((2, _LANES), jnp.float32),
        pltpu.VMEM((_NTILES, 2, _LANES), jnp.float32),
        pltpu.VMEM((80,), jnp.float32),
        pltpu.VMEM((16,), jnp.int32),
        pltpu.VMEM((16,), jnp.float32),
        pltpu.SemaphoreType.DMA,
        pltpu.SemaphoreType.DMA,
        pltpu.SemaphoreType.DMA,
        pltpu.SemaphoreType.DMA,
        pltpu.SemaphoreType.DMA,
        pltpu.SemaphoreType.DMA,
    ],
)
def _router(key_hbm, cents_hbm, lam_hbm, out_ws, out_asg, stage_hbm,
            key_v, rows_v, part_v, coll_v, ws_v, asg_v, lam_v,
            sem_k, sem_r0, sem_r1, sem_l, sem_w, sem_a):
    tid = lax.axis_index("s")
    lanes = lax.iota(jnp.int32, 16)

    half = _D // 2
    kd = pltpu.async_copy(key_hbm, key_v, sem_k)
    row_base = tid * _ROWS
    rd0 = pltpu.async_copy(
        cents_hbm.at[pl.ds(row_base, _ROWS), pl.ds(0, half)],
        rows_v.at[:, pl.ds(0, half)], sem_r0)
    rd1 = pltpu.async_copy(
        cents_hbm.at[pl.ds(row_base, _ROWS), pl.ds(half, half)],
        rows_v.at[:, pl.ds(half, half)], sem_r1)

    @pl.when(tid == 0)
    def _prefetch_lam():
        pltpu.async_copy(lam_hbm, lam_v, sem_l)

    zero = jnp.zeros((_LANES,), jnp.float32)

    def body(j, accs):
        kk, d0, d1, d2, d3, n0, n1, n2, n3 = accs
        base = j * _LANES
        kv = key_v[pl.ds(base, _LANES)]
        r0 = rows_v[0, pl.ds(base, _LANES)]
        r1 = rows_v[1, pl.ds(base, _LANES)]
        r2 = rows_v[2, pl.ds(base, _LANES)]
        r3 = rows_v[3, pl.ds(base, _LANES)]
        return (kk + kv * kv,
                d0 + kv * r0, d1 + kv * r1, d2 + kv * r2, d3 + kv * r3,
                n0 + r0 * r0, n1 + r1 * r1, n2 + r2 * r2, n3 + r3 * r3)

    kd.wait()
    rd0.wait()
    accs = plsc.parallel_loop(0, _CHUNKS // 2, carry=(zero,) * 9,
                              unroll=8)(body)
    rd1.wait()
    accs = plsc.parallel_loop(_CHUNKS // 2, _CHUNKS, carry=accs,
                              unroll=8)(body)
    kk, d, n = accs[0], accs[1:5], accs[5:9]

    rk = _rsqrt_f32(jnp.sum(kk))
    pv = jnp.full((_LANES,), -1e30, jnp.float32)
    for r in range(_ROWS):
        sim_r = jnp.sum(d[r]) * rk * _rsqrt_f32(jnp.sum(n[r]))
        pv = jnp.where(lanes == r, sim_r, pv)
    part_v[0, :] = pv
    part_v[1, :] = jnp.exp(pv)
    pltpu.sync_copy(part_v, stage_hbm.at[tid])
    plsc.subcore_barrier()

    @pl.when(tid == 0)
    def _finale():
        pltpu.sync_copy(stage_hbm, coll_v)
        pltpu.make_async_copy(lam_hbm, lam_v, sem_l).wait()

        m = jnp.full((_LANES,), -3e38, jnp.float32)
        b = jnp.zeros((_LANES,), jnp.int32)
        tot = jnp.zeros((_LANES,), jnp.float32)
        maxe = jnp.zeros((_LANES,), jnp.float32)
        for r in range(_NTILES):
            s = jnp.where(lanes < _ROWS, coll_v[r, 0], jnp.float32(-1e30))
            e = jnp.where(lanes < _ROWS, coll_v[r, 1], jnp.float32(0.0))
            gt = s > m
            b = jnp.where(gt, jnp.int32(r), b)
            m = jnp.where(gt, s, m)
            tot = tot + e
            maxe = jnp.maximum(maxe, e)
            plsc.store_scatter(
                ws_v, [lanes + r * _ROWS], e, mask=lanes < _ROWS
            )
        big_m = jnp.max(m)
        cidx = b * _ROWS + lanes
        cand = jnp.where(m == big_m, cidx, jnp.int32(2 ** 30))
        assigned = jnp.min(cand)

        e_new_vec = jnp.where(
            lanes == 0, jnp.max(maxe) * jnp.exp(-lam_v[...]),
            jnp.float32(0.0))
        ws_v[pl.ds(64, 16)] = e_new_vec
        tot = tot + e_new_vec
        totv = jnp.full((16,), jnp.sum(tot), jnp.float32)
        for c in range(5):
            ws_v[pl.ds(c * 16, 16)] = ws_v[pl.ds(c * 16, 16)] / totv

        asg_v[...] = jnp.full((16,), 0, jnp.int32) + assigned
        wd = pltpu.async_copy(ws_v, out_ws, sem_w)
        ad = pltpu.async_copy(asg_v, out_asg, sem_a)
        wd.wait()
        ad.wait()


def kernel(key, centroids, energy_budget, state_counts):
    del state_counts
    lam_t = jnp.float32(1.0) / jnp.maximum(
        jnp.asarray(energy_budget, jnp.float32), jnp.float32(1e-6)
    )
    lam = jnp.full((16,), lam_t, jnp.float32)
    ws, asg, _ = _router(key, centroids, lam)
    return asg[0], ws[:65]

# --- scband reference (transcript-rebuilt; emitter-appended) ---
"""Pipeline reference for scband-energy-aware-router-39573828665392 (READ-ONLY COPY).

The authoritative reference and input builder live on the scoring server;
editing this copy changes nothing except your own understanding.
"""

import jax, jax.numpy as jnp
import numpy as np

D_MODEL = 4096
K = 64
LAMBDA_0 = 1.0
TEMPERATURE = 1.0


def setup_inputs() -> dict:
    key0 = jax.random.key(0)
    k1, k2, k3 = jax.random.split(key0, 3)
    key = jax.random.normal(k1, (D_MODEL,), dtype=jnp.float32)
    centroids = jax.random.normal(k2, (K, D_MODEL), dtype=jnp.float32)
    state_counts = jax.random.randint(k3, (K,), 0, 1024, dtype=jnp.int32)
    energy_budget = 1  # python scalar, matches torch float arg
    return {"key": key, "centroids": centroids, "energy_budget": energy_budget, "state_counts": state_counts}


def _normalize(x, axis=-1, eps=1e-12):
    n = jnp.linalg.norm(x, axis=axis, keepdims=True)
    return x / jnp.maximum(n, eps)


def reference(key, centroids, energy_budget, state_counts):
    # compute_routing_scores (K > 0 branch; K is static = 64)
    key_norm = _normalize(key[None, :], axis=-1)          # [1, D]
    centroid_norm = _normalize(centroids, axis=-1)        # [K, D]
    similarities = (key_norm @ centroid_norm.T)[0]        # [K]
    lambda_t = LAMBDA_0 / jnp.maximum(jnp.asarray(energy_budget, jnp.float32), 1e-06)
    new_state_score = jnp.max(similarities) - lambda_t
    scores = jnp.concatenate([similarities, new_state_score[None]])  # [K+1]
    soft_weights = jax.nn.softmax(scores / TEMPERATURE, axis=-1)
    assigned_idx = jnp.argmax(scores)
    # hard=True path: K means 'create new state' -> -1
    assigned = jnp.where(assigned_idx == K, -1, assigned_idx).astype(jnp.int32)
    return (assigned, soft_weights)

if __name__ == "__main__":
    import jax
    _d = setup_inputs()
    print(jax.jit(kernel)(*tuple(_d.values())))

</pallas_src>

<mosaic_0001>
#map = affine_map<(d0, d1) -> (0)>
#map1 = affine_map<(d0, d1) -> (0, 0)>
#map2 = affine_map<(d0, d1) -> (0, 0, 0)>
module attributes {stable_mosaic.version = 14 : i64} {
  func.func @_router(%arg0: i32, %arg1: i32, %arg2: memref<4096xf32, #tpu.memory_space<hbm>>, %arg3: memref<64x4096xf32, #tpu.memory_space<hbm>>, %arg4: memref<16xf32, #tpu.memory_space<hbm>>, %arg5: memref<80xf32, #tpu.memory_space<hbm>>, %arg6: memref<16xi32, #tpu.memory_space<hbm>>, %arg7: memref<16x2x16xf32, #tpu.memory_space<hbm>>, %arg8: memref<4096xf32, #tpu.memory_space<vmem>>, %arg9: memref<4x4096xf32, #tpu.memory_space<vmem>>, %arg10: memref<2x16xf32, #tpu.memory_space<vmem>>, %arg11: memref<16x2x16xf32, #tpu.memory_space<vmem>>, %arg12: memref<80xf32, #tpu.memory_space<vmem>>, %arg13: memref<16xi32, #tpu.memory_space<vmem>>, %arg14: memref<16xf32, #tpu.memory_space<vmem>>, %arg15: memref<!tpu.dma_semaphore, #tpu.memory_space<semaphore_mem>>, %arg16: memref<!tpu.dma_semaphore, #tpu.memory_space<semaphore_mem>>, %arg17: memref<!tpu.dma_semaphore, #tpu.memory_space<semaphore_mem>>, %arg18: memref<!tpu.dma_semaphore, #tpu.memory_space<semaphore_mem>>, %arg19: memref<!tpu.dma_semaphore, #tpu.memory_space<semaphore_mem>>, %arg20: memref<!tpu.dma_semaphore, #tpu.memory_space<semaphore_mem>>) attributes {dimension_semantics = [#tpu.dimension_semantics<core_parallel>, #tpu.dimension_semantics<subcore_parallel>], iteration_bounds = array<i64: 1, 16>, scalar_prefetch = 0 : i64, scratch_operands = 13 : i64, tpu.core_type = #tpu.core_type<sc_vector_subcore>, window_params = [{transform_indices = #map}, {transform_indices = #map1}, {transform_indices = #map}, {transform_indices = #map}, {transform_indices = #map}, {transform_indices = #map2}]} {
    %iota3A = tpu.iota {dimensions = array<i32: 0>} : vector<16xi32>
    tpu.enqueue_dma source(%arg2 : memref<4096xf32, #tpu.memory_space<hbm>>) target(%arg8 : memref<4096xf32, #tpu.memory_space<vmem>>) target_semaphore(%arg15 : memref<!tpu.dma_semaphore, #tpu.memory_space<semaphore_mem>>)
    %mul3A = arith.constant 4 : i32
    %mul3A_0 = arith.muli %arg1, %mul3A : i32
    %dma_start3A = arith.constant 0 : i32
    %dma_start3A_1 = arith.constant 0 : i32
    %dma_start3A_2 = tpu.memref_slice %arg9[%dma_start3A, %dma_start3A_1] : memref<4x4096xf32, #tpu.memory_space<vmem>> -> memref<4x2048xf32, #tpu.memory_space<vmem>>
    %dma_start3A_3 = arith.constant 0 : i32
    %dma_start3A_4 = tpu.memref_slice %arg3[%mul3A_0, %dma_start3A_3] : memref<64x4096xf32, #tpu.memory_space<hbm>> -> memref<4x2048xf32, #tpu.memory_space<hbm>>
    %dma_start3A_5 = arith.constant 0 : i32
    %dma_start3A_6 = arith.constant 0 : i32
    %dma_start3A_7 = tpu.memref_slice %arg9[%dma_start3A_5, %dma_start3A_6] : memref<4x4096xf32, #tpu.memory_space<vmem>> -> memref<4x2048xf32, #tpu.memory_space<vmem>>
    %dma_start3A_8 = arith.constant 0 : i32
    %dma_start3A_9 = tpu.memref_slice %arg3[%mul3A_0, %dma_start3A_8] : memref<64x4096xf32, #tpu.memory_space<hbm>> -> memref<4x2048xf32, #tpu.memory_space<hbm>>
    tpu.enqueue_dma source(%dma_start3A_9 : memref<4x2048xf32, #tpu.memory_space<hbm>>) target(%dma_start3A_7 : memref<4x2048xf32, #tpu.memory_space<vmem>>) target_semaphore(%arg16 : memref<!tpu.dma_semaphore, #tpu.memory_space<semaphore_mem>>)
    %dma_start3A_10 = arith.constant 0 : i32
    %dma_start3A_11 = arith.constant 2048 : i32
    %dma_start3A_12 = tpu.memref_slice %arg9[%dma_start3A_10, %dma_start3A_11] : memref<4x4096xf32, #tpu.memory_space<vmem>> -> memref<4x2048xf32, #tpu.memory_space<vmem>>
    %dma_start3A_13 = arith.constant 2048 : i32
    %dma_start3A_14 = tpu.memref_slice %arg3[%mul3A_0, %dma_start3A_13] : memref<64x4096xf32, #tpu.memory_space<hbm>> -> memref<4x2048xf32, #tpu.memory_space<hbm>>
    %dma_start3A_15 = arith.constant 0 : i32
    %dma_start3A_16 = arith.constant 2048 : i32
    %dma_start3A_17 = tpu.memref_slice %arg9[%dma_start3A_15, %dma_start3A_16] : memref<4x4096xf32, #tpu.memory_space<vmem>> -> memref<4x2048xf32, #tpu.memory_space<vmem>>
    %dma_start3A_18 = arith.constant 2048 : i32
    %dma_start3A_19 = tpu.memref_slice %arg3[%mul3A_0, %dma_start3A_18] : memref<64x4096xf32, #tpu.memory_space<hbm>> -> memref<4x2048xf32, #tpu.memory_space<hbm>>
    tpu.enqueue_dma source(%dma_start3A_19 : memref<4x2048xf32, #tpu.memory_space<hbm>>) target(%dma_start3A_17 : memref<4x2048xf32, #tpu.memory_space<vmem>>) target_semaphore(%arg17 : memref<!tpu.dma_semaphore, #tpu.memory_space<semaphore_mem>>)
    %eq3A = arith.constant 0 : i32
    %eq3A_20 = arith.cmpi eq, %arg1, %eq3A : i32
    %convert_element_type3A = arith.extui %eq3A_20 : i1 to i32
    %cond3A = arith.constant 0 : i32
    %cond3A_21 = arith.cmpi ne, %convert_element_type3A, %cond3A : i32
    scf.if %cond3A_21 {
      tpu.enqueue_dma source(%arg4 : memref<16xf32, #tpu.memory_space<hbm>>) target(%arg14 : memref<16xf32, #tpu.memory_space<vmem>>) target_semaphore(%arg18 : memref<!tpu.dma_semaphore, #tpu.memory_space<semaphore_mem>>)
    } else {
    }
    %broadcast_in_dim3A = arith.constant 0.000000e+00 : f32
    %broadcast_in_dim3A_22 = vector.broadcast %broadcast_in_dim3A : f32 to vector<16xf32>
    tpu.wait_dma2 semaphore(%arg15 : memref<!tpu.dma_semaphore, #tpu.memory_space<semaphore_mem>>) src(%arg2 : memref<4096xf32, #tpu.memory_space<hbm>>) dst(%arg8 : memref<4096xf32, #tpu.memory_space<vmem>>)
    %dma_wait3A = arith.constant 0 : i32
    %dma_wait3A_23 = arith.constant 0 : i32
    %dma_wait3A_24 = tpu.memref_slice %arg9[%dma_wait3A, %dma_wait3A_23] : memref<4x4096xf32, #tpu.memory_space<vmem>> -> memref<4x2048xf32, #tpu.memory_space<vmem>>
    %dma_wait3A_25 = arith.constant 0 : i32
    %dma_wait3A_26 = tpu.memref_slice %arg3[%mul3A_0, %dma_wait3A_25] : memref<64x4096xf32, #tpu.memory_space<hbm>> -> memref<4x2048xf32, #tpu.memory_space<hbm>>
    %dma_wait3A_27 = arith.constant 0 : i32
    %dma_wait3A_28 = arith.constant 0 : i32
    %dma_wait3A_29 = tpu.memref_slice %arg9[%dma_wait3A_27, %dma_wait3A_28] : memref<4x4096xf32, #tpu.memory_space<vmem>> -> memref<4x2048xf32, #tpu.memory_space<vmem>>
    %dma_wait3A_30 = arith.constant 0 : i32
    %dma_wait3A_31 = tpu.memref_slice %arg3[%mul3A_0, %dma_wait3A_30] : memref<64x4096xf32, #tpu.memory_space<hbm>> -> memref<4x2048xf32, #tpu.memory_space<hbm>>
    tpu.wait_dma2 semaphore(%arg16 : memref<!tpu.dma_semaphore, #tpu.memory_space<semaphore_mem>>) src(%dma_wait3A_31 : memref<4x2048xf32, #tpu.memory_space<hbm>>) dst(%dma_wait3A_29 : memref<4x2048xf32, #tpu.memory_space<vmem>>)
    %parallel_loop3A = arith.constant 0 : i32
    %parallel_loop3A_32 = arith.constant 128 : i32
    %parallel_loop3A_33 = arith.constant 1 : i32
    %parallel_loop3A_34:9 = scf.for %parallel_loop3A_266 = %parallel_loop3A to %parallel_loop3A_32 step %parallel_loop3A_33 iter_args(%parallel_loop3A_267 = %broadcast_in_dim3A_22, %parallel_loop3A_268 = %broadcast_in_dim3A_22, %parallel_loop3A_269 = %broadcast_in_dim3A_22, %parallel_loop3A_270 = %broadcast_in_dim3A_22, %parallel_loop3A_271 = %broadcast_in_dim3A_22, %parallel_loop3A_272 = %broadcast_in_dim3A_22, %parallel_loop3A_273 = %broadcast_in_dim3A_22, %parallel_loop3A_274 = %broadcast_in_dim3A_22, %parallel_loop3A_275 = %broadcast_in_dim3A_22) -> (vector<16xf32>, vector<16xf32>, vector<16xf32>, vector<16xf32>, vector<16xf32>, vector<16xf32>, vector<16xf32>, vector<16xf32>, vector<16xf32>)  : i32 {
      %parallel_loop3A_276 = arith.constant 16 : i32
      %parallel_loop3A_277 = arith.muli %parallel_loop3A_266, %parallel_loop3A_276 : i32
      %parallel_loop3A_278 = arith.index_cast %parallel_loop3A_277 : i32 to index
      %parallel_loop3A_279 = tpu.vector_load %arg8[%parallel_loop3A_278] {strides = array<i32>} : memref<4096xf32, #tpu.memory_space<vmem>>, vector<16xf32>,
      %parallel_loop3A_280 = arith.constant 0 : i32
      %parallel_loop3A_281 = arith.index_cast %parallel_loop3A_280 : i32 to index
      %parallel_loop3A_282 = arith.index_cast %parallel_loop3A_277 : i32 to index
      %parallel_loop3A_283 = tpu.vector_load %arg9[%parallel_loop3A_281, %parallel_loop3A_282] {strides = array<i32>} : memref<4x4096xf32, #tpu.memory_space<vmem>>, vector<16xf32>,
      %parallel_loop3A_284 = arith.constant 1 : i32
      %parallel_loop3A_285 = arith.index_cast %parallel_loop3A_284 : i32 to index
      %parallel_loop3A_286 = arith.index_cast %parallel_loop3A_277 : i32 to index
      %parallel_loop3A_287 = tpu.vector_load %arg9[%parallel_loop3A_285, %parallel_loop3A_286] {strides = array<i32>} : memref<4x4096xf32, #tpu.memory_space<vmem>>, vector<16xf32>,
      %parallel_loop3A_288 = arith.constant 2 : i32
      %parallel_loop3A_289 = arith.index_cast %parallel_loop3A_288 : i32 to index
      %parallel_loop3A_290 = arith.index_cast %parallel_loop3A_277 : i32 to index
      %parallel_loop3A_291 = tpu.vector_load %arg9[%parallel_loop3A_289, %parallel_loop3A_290] {strides = array<i32>} : memref<4x4096xf32, #tpu.memory_space<vmem>>, vector<16xf32>,
      %parallel_loop3A_292 = arith.constant 3 : i32
      %parallel_loop3A_293 = arith.index_cast %parallel_loop3A_292 : i32 to index
      %parallel_loop3A_294 = arith.index_cast %parallel_loop3A_277 : i32 to index
      %parallel_loop3A_295 = tpu.vector_load %arg9[%parallel_loop3A_293, %parallel_loop3A_294] {strides = array<i32>} : memref<4x4096xf32, #tpu.memory_space<vmem>>, vector<16xf32>,
      %parallel_loop3A_296 = arith.mulf %parallel_loop3A_279, %parallel_loop3A_279 : vector<16xf32>
      %parallel_loop3A_297 = arith.addf %parallel_loop3A_267, %parallel_loop3A_296 : vector<16xf32>
      %parallel_loop3A_298 = arith.mulf %parallel_loop3A_279, %parallel_loop3A_283 : vector<16xf32>
      %parallel_loop3A_299 = arith.addf %parallel_loop3A_268, %parallel_loop3A_298 : vector<16xf32>
      %parallel_loop3A_300 = arith.mulf %parallel_loop3A_279, %parallel_loop3A_287 : vector<16xf32>
      %parallel_loop3A_301 = arith.addf %parallel_loop3A_269, %parallel_loop3A_300 : vector<16xf32>
      %parallel_loop3A_302 = arith.mulf %parallel_loop3A_279, %parallel_loop3A_291 : vector<16xf32>
      %parallel_loop3A_303 = arith.addf %parallel_loop3A_270, %parallel_loop3A_302 : vector<16xf32>
      %parallel_loop3A_304 = arith.mulf %parallel_loop3A_279, %parallel_loop3A_295 : vector<16xf32>
      %parallel_loop3A_305 = arith.addf %parallel_loop3A_271, %parallel_loop3A_304 : vector<16xf32>
      %parallel_loop3A_306 = arith.mulf %parallel_loop3A_283, %parallel_loop3A_283 : vector<16xf32>
      %parallel_loop3A_307 = arith.addf %parallel_loop3A_272, %parallel_loop3A_306 : vector<16xf32>
      %parallel_loop3A_308 = arith.mulf %parallel_loop3A_287, %parallel_loop3A_287 : vector<16xf32>
      %parallel_loop3A_309 = arith.addf %parallel_loop3A_273, %parallel_loop3A_308 : vector<16xf32>
      %parallel_loop3A_310 = arith.mulf %parallel_loop3A_291, %parallel_loop3A_291 : vector<16xf32>
      %parallel_loop3A_311 = arith.addf %parallel_loop3A_274, %parallel_loop3A_310 : vector<16xf32>
      %parallel_loop3A_312 = arith.mulf %parallel_loop3A_295, %parallel_loop3A_295 : vector<16xf32>
      %parallel_loop3A_313 = arith.addf %parallel_loop3A_275, %parallel_loop3A_312 : vector<16xf32>
      scf.yield %parallel_loop3A_297, %parallel_loop3A_299, %parallel_loop3A_301, %parallel_loop3A_303, %parallel_loop3A_305, %parallel_loop3A_307, %parallel_loop3A_309, %parallel_loop3A_311, %parallel_loop3A_313 : vector<16xf32>, vector<16xf32>, vector<16xf32>, vector<16xf32>, vector<16xf32>, vector<16xf32>, vector<16xf32>, vector<16xf32>, vector<16xf32>
    } {sc.loop_unroll_factor = 8 : i64, sc.parallel_access}
    %dma_wait3A_35 = arith.constant 0 : i32
    %dma_wait3A_36 = arith.constant 2048 : i32
    %dma_wait3A_37 = tpu.memref_slice %arg9[%dma_wait3A_35, %dma_wait3A_36] : memref<4x4096xf32, #tpu.memory_space<vmem>> -> memref<4x2048xf32, #tpu.memory_space<vmem>>
    %dma_wait3A_38 = arith.constant 2048 : i32
    %dma_wait3A_39 = tpu.memref_slice %arg3[%mul3A_0, %dma_wait3A_38] : memref<64x4096xf32, #tpu.memory_space<hbm>> -> memref<4x2048xf32, #tpu.memory_space<hbm>>
    %dma_wait3A_40 = arith.constant 0 : i32
    %dma_wait3A_41 = arith.constant 2048 : i32
    %dma_wait3A_42 = tpu.memref_slice %arg9[%dma_wait3A_40, %dma_wait3A_41] : memref<4x4096xf32, #tpu.memory_space<vmem>> -> memref<4x2048xf32, #tpu.memory_space<vmem>>
    %dma_wait3A_43 = arith.constant 2048 : i32
    %dma_wait3A_44 = tpu.memref_slice %arg3[%mul3A_0, %dma_wait3A_43] : memref<64x4096xf32, #tpu.memory_space<hbm>> -> memref<4x2048xf32, #tpu.memory_space<hbm>>
    tpu.wait_dma2 semaphore(%arg17 : memref<!tpu.dma_semaphore, #tpu.memory_space<semaphore_mem>>) src(%dma_wait3A_44 : memref<4x2048xf32, #tpu.memory_space<hbm>>) dst(%dma_wait3A_42 : memref<4x2048xf32, #tpu.memory_space<vmem>>)
    %parallel_loop3A_45 = arith.constant 128 : i32
    %parallel_loop3A_46 = arith.constant 256 : i32
    %parallel_loop3A_47 = arith.constant 1 : i32
    %parallel_loop3A_48:9 = scf.for %parallel_loop3A_266 = %parallel_loop3A_45 to %parallel_loop3A_46 step %parallel_loop3A_47 iter_args(%parallel_loop3A_267 = %parallel_loop3A_34#0, %parallel_loop3A_268 = %parallel_loop3A_34#1, %parallel_loop3A_269 = %parallel_loop3A_34#2, %parallel_loop3A_270 = %parallel_loop3A_34#3, %parallel_loop3A_271 = %parallel_loop3A_34#4, %parallel_loop3A_272 = %parallel_loop3A_34#5, %parallel_loop3A_273 = %parallel_loop3A_34#6, %parallel_loop3A_274 = %parallel_loop3A_34#7, %parallel_loop3A_275 = %parallel_loop3A_34#8) -> (vector<16xf32>, vector<16xf32>, vector<16xf32>, vector<16xf32>, vector<16xf32>, vector<16xf32>, vector<16xf32>, vector<16xf32>, vector<16xf32>)  : i32 {
      %parallel_loop3A_276 = arith.constant 16 : i32
      %parallel_loop3A_277 = arith.muli %parallel_loop3A_266, %parallel_loop3A_276 : i32
      %parallel_loop3A_278 = arith.index_cast %parallel_loop3A_277 : i32 to index
      %parallel_loop3A_279 = tpu.vector_load %arg8[%parallel_loop3A_278] {strides = array<i32>} : memref<4096xf32, #tpu.memory_space<vmem>>, vector<16xf32>,
      %parallel_loop3A_280 = arith.constant 0 : i32
      %parallel_loop3A_281 = arith.index_cast %parallel_loop3A_280 : i32 to index
      %parallel_loop3A_282 = arith.index_cast %parallel_loop3A_277 : i32 to index
      %parallel_loop3A_283 = tpu.vector_load %arg9[%parallel_loop3A_281, %parallel_loop3A_282] {strides = array<i32>} : memref<4x4096xf32, #tpu.memory_space<vmem>>, vector<16xf32>,
      %parallel_loop3A_284 = arith.constant 1 : i32
      %parallel_loop3A_285 = arith.index_cast %parallel_loop3A_284 : i32 to index
      %parallel_loop3A_286 = arith.index_cast %parallel_loop3A_277 : i32 to index
      %parallel_loop3A_287 = tpu.vector_load %arg9[%parallel_loop3A_285, %parallel_loop3A_286] {strides = array<i32>} : memref<4x4096xf32, #tpu.memory_space<vmem>>, vector<16xf32>,
      %parallel_loop3A_288 = arith.constant 2 : i32
      %parallel_loop3A_289 = arith.index_cast %parallel_loop3A_288 : i32 to index
      %parallel_loop3A_290 = arith.index_cast %parallel_loop3A_277 : i32 to index
      %parallel_loop3A_291 = tpu.vector_load %arg9[%parallel_loop3A_289, %parallel_loop3A_290] {strides = array<i32>} : memref<4x4096xf32, #tpu.memory_space<vmem>>, vector<16xf32>,
      %parallel_loop3A_292 = arith.constant 3 : i32
      %parallel_loop3A_293 = arith.index_cast %parallel_loop3A_292 : i32 to index
      %parallel_loop3A_294 = arith.index_cast %parallel_loop3A_277 : i32 to index
      %parallel_loop3A_295 = tpu.vector_load %arg9[%parallel_loop3A_293, %parallel_loop3A_294] {strides = array<i32>} : memref<4x4096xf32, #tpu.memory_space<vmem>>, vector<16xf32>,
      %parallel_loop3A_296 = arith.mulf %parallel_loop3A_279, %parallel_loop3A_279 : vector<16xf32>
      %parallel_loop3A_297 = arith.addf %parallel_loop3A_267, %parallel_loop3A_296 : vector<16xf32>
      %parallel_loop3A_298 = arith.mulf %parallel_loop3A_279, %parallel_loop3A_283 : vector<16xf32>
      %parallel_loop3A_299 = arith.addf %parallel_loop3A_268, %parallel_loop3A_298 : vector<16xf32>
      %parallel_loop3A_300 = arith.mulf %parallel_loop3A_279, %parallel_loop3A_287 : vector<16xf32>
      %parallel_loop3A_301 = arith.addf %parallel_loop3A_269, %parallel_loop3A_300 : vector<16xf32>
      %parallel_loop3A_302 = arith.mulf %parallel_loop3A_279, %parallel_loop3A_291 : vector<16xf32>
      %parallel_loop3A_303 = arith.addf %parallel_loop3A_270, %parallel_loop3A_302 : vector<16xf32>
      %parallel_loop3A_304 = arith.mulf %parallel_loop3A_279, %parallel_loop3A_295 : vector<16xf32>
      %parallel_loop3A_305 = arith.addf %parallel_loop3A_271, %parallel_loop3A_304 : vector<16xf32>
      %parallel_loop3A_306 = arith.mulf %parallel_loop3A_283, %parallel_loop3A_283 : vector<16xf32>
      %parallel_loop3A_307 = arith.addf %parallel_loop3A_272, %parallel_loop3A_306 : vector<16xf32>
      %parallel_loop3A_308 = arith.mulf %parallel_loop3A_287, %parallel_loop3A_287 : vector<16xf32>
      %parallel_loop3A_309 = arith.addf %parallel_loop3A_273, %parallel_loop3A_308 : vector<16xf32>
      %parallel_loop3A_310 = arith.mulf %parallel_loop3A_291, %parallel_loop3A_291 : vector<16xf32>
      %parallel_loop3A_311 = arith.addf %parallel_loop3A_274, %parallel_loop3A_310 : vector<16xf32>
      %parallel_loop3A_312 = arith.mulf %parallel_loop3A_295, %parallel_loop3A_295 : vector<16xf32>
      %parallel_loop3A_313 = arith.addf %parallel_loop3A_275, %parallel_loop3A_312 : vector<16xf32>
      scf.yield %parallel_loop3A_297, %parallel_loop3A_299, %parallel_loop3A_301, %parallel_loop3A_303, %parallel_loop3A_305, %parallel_loop3A_307, %parallel_loop3A_309, %parallel_loop3A_311, %parallel_loop3A_313 : vector<16xf32>, vector<16xf32>, vector<16xf32>, vector<16xf32>, vector<16xf32>, vector<16xf32>, vector<16xf32>, vector<16xf32>, vector<16xf32>
    } {sc.loop_unroll_factor = 8 : i64, sc.parallel_access}
    %reduce_sum3A = arith.constant true
    %reduce_sum3A_49 = vector.broadcast %reduce_sum3A : i1 to vector<16xi1>
    %reduce_sum3A_50 = tpu.scan <sum>, %parallel_loop3A_48#0 masked %reduce_sum3A_49 : vector<16xf32>, vector<16xi1> -> vector<16xf32>
    %reduce_sum3A_51 = vector.extract %reduce_sum3A_50[15] : f32 from vector<16xf32>
    %max3A = arith.constant 1.000000e-24 : f32
    %max3A_52 = arith.maximumf %reduce_sum3A_51, %max3A : f32
    %bitcast_convert_type3A = arith.bitcast %max3A_52 : f32 to i32
    %shift_right_logical3A = arith.constant 1 : i32
    %shift_right_logical3A_53 = arith.shrui %bitcast_convert_type3A, %shift_right_logical3A : i32
    %sub3A = arith.constant 1597463007 : i32
    %sub3A_54 = arith.subi %sub3A, %shift_right_logical3A_53 : i32
    %bitcast_convert_type3A_55 = arith.bitcast %sub3A_54 : i32 to f32
    %mul3A_56 = arith.constant 5.000000e-01 : f32
    %mul3A_57 = arith.mulf %mul3A_56, %max3A_52 : f32
    %mul3A_58 = arith.mulf %mul3A_57, %bitcast_convert_type3A_55 : f32
    %mul3A_59 = arith.mulf %mul3A_58, %bitcast_convert_type3A_55 : f32
    %sub3A_60 = arith.constant 1.500000e+00 : f32
    %sub3A_61 = arith.subf %sub3A_60, %mul3A_59 : f32
    %mul3A_62 = arith.mulf %bitcast_convert_type3A_55, %sub3A_61 : f32
    %mul3A_63 = arith.constant 5.000000e-01 : f32
    %mul3A_64 = arith.mulf %mul3A_63, %max3A_52 : f32
    %mul3A_65 = arith.mulf %mul3A_64, %mul3A_62 : f32
    %mul3A_66 = arith.mulf %mul3A_65, %mul3A_62 : f32
    %sub3A_67 = arith.constant 1.500000e+00 : f32
    %sub3A_68 = arith.subf %sub3A_67, %mul3A_66 : f32
    %mul3A_69 = arith.mulf %mul3A_62, %sub3A_68 : f32
    %mul3A_70 = arith.constant 5.000000e-01 : f32
    %mul3A_71 = arith.mulf %mul3A_70, %max3A_52 : f32
    %mul3A_72 = arith.mulf %mul3A_71, %mul3A_69 : f32
    %mul3A_73 = arith.mulf %mul3A_72, %mul3A_69 : f32
    %sub3A_74 = arith.constant 1.500000e+00 : f32
    %sub3A_75 = arith.subf %sub3A_74, %mul3A_73 : f32
    %mul3A_76 = arith.mulf %mul3A_69, %sub3A_75 : f32
    %broadcast_in_dim3A_77 = arith.constant -1.000000e+30 : f32
    %broadcast_in_dim3A_78 = vector.broadcast %broadcast_in_dim3A_77 : f32 to vector<16xf32>
    %reduce_sum3A_79 = arith.constant true
    %reduce_sum3A_80 = vector.broadcast %reduce_sum3A_79 : i1 to vector<16xi1>
    %reduce_sum3A_81 = tpu.scan <sum>, %parallel_loop3A_48#1 masked %reduce_sum3A_80 : vector<16xf32>, vector<16xi1> -> vector<16xf32>
    %reduce_sum3A_82 = vector.extract %reduce_sum3A_81[15] : f32 from vector<16xf32>
    %mul3A_83 = arith.mulf %reduce_sum3A_82, %mul3A_76 : f32
    %reduce_sum3A_84 = arith.constant true
    %reduce_sum3A_85 = vector.broadcast %reduce_sum3A_84 : i1 to vector<16xi1>
    %reduce_sum3A_86 = tpu.scan <sum>, %parallel_loop3A_48#5 masked %reduce_sum3A_85 : vector<16xf32>, vector<16xi1> -> vector<16xf32>
    %reduce_sum3A_87 = vector.extract %reduce_sum3A_86[15] : f32 from vector<16xf32>
    %max3A_88 = arith.constant 1.000000e-24 : f32
    %max3A_89 = arith.maximumf %reduce_sum3A_87, %max3A_88 : f32
    %bitcast_convert_type3A_90 = arith.bitcast %max3A_89 : f32 to i32
    %shift_right_logical3A_91 = arith.constant 1 : i32
    %shift_right_logical3A_92 = arith.shrui %bitcast_convert_type3A_90, %shift_right_logical3A_91 : i32
    %sub3A_93 = arith.constant 1597463007 : i32
    %sub3A_94 = arith.subi %sub3A_93, %shift_right_logical3A_92 : i32
    %bitcast_convert_type3A_95 = arith.bitcast %sub3A_94 : i32 to f32
    %mul3A_96 = arith.constant 5.000000e-01 : f32
    %mul3A_97 = arith.mulf %mul3A_96, %max3A_89 : f32
    %mul3A_98 = arith.mulf %mul3A_97, %bitcast_convert_type3A_95 : f32
    %mul3A_99 = arith.mulf %mul3A_98, %bitcast_convert_type3A_95 : f32
    %sub3A_100 = arith.constant 1.500000e+00 : f32
    %sub3A_101 = arith.subf %sub3A_100, %mul3A_99 : f32
    %mul3A_102 = arith.mulf %bitcast_convert_type3A_95, %sub3A_101 : f32
    %mul3A_103 = arith.constant 5.000000e-01 : f32
    %mul3A_104 = arith.mulf %mul3A_103, %max3A_89 : f32
    %mul3A_105 = arith.mulf %mul3A_104, %mul3A_102 : f32
    %mul3A_106 = arith.mulf %mul3A_105, %mul3A_102 : f32
    %sub3A_107 = arith.constant 1.500000e+00 : f32
    %sub3A_108 = arith.subf %sub3A_107, %mul3A_106 : f32
    %mul3A_109 = arith.mulf %mul3A_102, %sub3A_108 : f32
    %mul3A_110 = arith.constant 5.000000e-01 : f32
    %mul3A_111 = arith.mulf %mul3A_110, %max3A_89 : f32
    %mul3A_112 = arith.mulf %mul3A_111, %mul3A_109 : f32
    %mul3A_113 = arith.mulf %mul3A_112, %mul3A_109 : f32
    %sub3A_114 = arith.constant 1.500000e+00 : f32
    %sub3A_115 = arith.subf %sub3A_114, %mul3A_113 : f32
    %mul3A_116 = arith.mulf %mul3A_109, %sub3A_115 : f32
    %mul3A_117 = arith.mulf %mul3A_83, %mul3A_116 : f32
    %eq3A_118 = arith.constant 0 : i32
    %eq3A_119 = vector.broadcast %eq3A_118 : i32 to vector<16xi32>
    %eq3A_120 = arith.cmpi eq, %iota3A, %eq3A_119 : vector<16xi32>
    %broadcast_in_dim3A_121 = vector.broadcast %mul3A_117 : f32 to vector<16xf32>
    %select_n3A = arith.select %eq3A_120, %broadcast_in_dim3A_121, %broadcast_in_dim3A_78 : vector<16xi1>, vector<16xf32>
    %reduce_sum3A_122 = arith.constant true
    %reduce_sum3A_123 = vector.broadcast %reduce_sum3A_122 : i1 to vector<16xi1>
    %reduce_sum3A_124 = tpu.scan <sum>, %parallel_loop3A_48#2 masked %reduce_sum3A_123 : vector<16xf32>, vector<16xi1> -> vector<16xf32>
    %reduce_sum3A_125 = vector.extract %reduce_sum3A_124[15] : f32 from vector<16xf32>
    %mul3A_126 = arith.mulf %reduce_sum3A_125, %mul3A_76 : f32
    %reduce_sum3A_127 = arith.constant true
    %reduce_sum3A_128 = vector.broadcast %reduce_sum3A_127 : i1 to vector<16xi1>
    %reduce_sum3A_129 = tpu.scan <sum>, %parallel_loop3A_48#6 masked %reduce_sum3A_128 : vector<16xf32>, vector<16xi1> -> vector<16xf32>
    %reduce_sum3A_130 = vector.extract %reduce_sum3A_129[15] : f32 from vector<16xf32>
    %max3A_131 = arith.constant 1.000000e-24 : f32
    %max3A_132 = arith.maximumf %reduce_sum3A_130, %max3A_131 : f32
    %bitcast_convert_type3A_133 = arith.bitcast %max3A_132 : f32 to i32
    %shift_right_logical3A_134 = arith.constant 1 : i32
    %shift_right_logical3A_135 = arith.shrui %bitcast_convert_type3A_133, %shift_right_logical3A_134 : i32
    %sub3A_136 = arith.constant 1597463007 : i32
    %sub3A_137 = arith.subi %sub3A_136, %shift_right_logical3A_135 : i32
    %bitcast_convert_type3A_138 = arith.bitcast %sub3A_137 : i32 to f32
    %mul3A_139 = arith.constant 5.000000e-01 : f32
    %mul3A_140 = arith.mulf %mul3A_139, %max3A_132 : f32
    %mul3A_141 = arith.mulf %mul3A_140, %bitcast_convert_type3A_138 : f32
    %mul3A_142 = arith.mulf %mul3A_141, %bitcast_convert_type3A_138 : f32
    %sub3A_143 = arith.constant 1.500000e+00 : f32
    %sub3A_144 = arith.subf %sub3A_143, %mul3A_142 : f32
    %mul3A_145 = arith.mulf %bitcast_convert_type3A_138, %sub3A_144 : f32
    %mul3A_146 = arith.constant 5.000000e-01 : f32
    %mul3A_147 = arith.mulf %mul3A_146, %max3A_132 : f32
    %mul3A_148 = arith.mulf %mul3A_147, %mul3A_145 : f32
    %mul3A_149 = arith.mulf %mul3A_148, %mul3A_145 : f32
    %sub3A_150 = arith.constant 1.500000e+00 : f32
    %sub3A_151 = arith.subf %sub3A_150, %mul3A_149 : f32
    %mul3A_152 = arith.mulf %mul3A_145, %sub3A_151 : f32
    %mul3A_153 = arith.constant 5.000000e-01 : f32
    %mul3A_154 = arith.mulf %mul3A_153, %max3A_132 : f32
    %mul3A_155 = arith.mulf %mul3A_154, %mul3A_152 : f32
    %mul3A_156 = arith.mulf %mul3A_155, %mul3A_152 : f32
    %sub3A_157 = arith.constant 1.500000e+00 : f32
    %sub3A_158 = arith.subf %sub3A_157, %mul3A_156 : f32
    %mul3A_159 = arith.mulf %mul3A_152, %sub3A_158 : f32
    %mul3A_160 = arith.mulf %mul3A_126, %mul3A_159 : f32
    %eq3A_161 = arith.constant 1 : i32
    %eq3A_162 = vector.broadcast %eq3A_161 : i32 to vector<16xi32>
    %eq3A_163 = arith.cmpi eq, %iota3A, %eq3A_162 : vector<16xi32>
    %broadcast_in_dim3A_164 = vector.broadcast %mul3A_160 : f32 to vector<16xf32>
    %select_n3A_165 = arith.select %eq3A_163, %broadcast_in_dim3A_164, %select_n3A : vector<16xi1>, vector<16xf32>
    %reduce_sum3A_166 = arith.constant true
    %reduce_sum3A_167 = vector.broadcast %reduce_sum3A_166 : i1 to vector<16xi1>
    %reduce_sum3A_168 = tpu.scan <sum>, %parallel_loop3A_48#3 masked %reduce_sum3A_167 : vector<16xf32>, vector<16xi1> -> vector<16xf32>
    %reduce_sum3A_169 = vector.extract %reduce_sum3A_168[15] : f32 from vector<16xf32>
    %mul3A_170 = arith.mulf %reduce_sum3A_169, %mul3A_76 : f32
    %reduce_sum3A_171 = arith.constant true
    %reduce_sum3A_172 = vector.broadcast %reduce_sum3A_171 : i1 to vector<16xi1>
    %reduce_sum3A_173 = tpu.scan <sum>, %parallel_loop3A_48#7 masked %reduce_sum3A_172 : vector<16xf32>, vector<16xi1> -> vector<16xf32>
    %reduce_sum3A_174 = vector.extract %reduce_sum3A_173[15] : f32 from vector<16xf32>
    %max3A_175 = arith.constant 1.000000e-24 : f32
    %max3A_176 = arith.maximumf %reduce_sum3A_174, %max3A_175 : f32
    %bitcast_convert_type3A_177 = arith.bitcast %max3A_176 : f32 to i32
    %shift_right_logical3A_178 = arith.constant 1 : i32
    %shift_right_logical3A_179 = arith.shrui %bitcast_convert_type3A_177, %shift_right_logical3A_178 : i32
    %sub3A_180 = arith.constant 1597463007 : i32
    %sub3A_181 = arith.subi %sub3A_180, %shift_right_logical3A_179 : i32
    %bitcast_convert_type3A_182 = arith.bitcast %sub3A_181 : i32 to f32
    %mul3A_183 = arith.constant 5.000000e-01 : f32
    %mul3A_184 = arith.mulf %mul3A_183, %max3A_176 : f32
    %mul3A_185 = arith.mulf %mul3A_184, %bitcast_convert_type3A_182 : f32
    %mul3A_186 = arith.mulf %mul3A_185, %bitcast_convert_type3A_182 : f32
    %sub3A_187 = arith.constant 1.500000e+00 : f32
    %sub3A_188 = arith.subf %sub3A_187, %mul3A_186 : f32
    %mul3A_189 = arith.mulf %bitcast_convert_type3A_182, %sub3A_188 : f32
    %mul3A_190 = arith.constant 5.000000e-01 : f32
    %mul3A_191 = arith.mulf %mul3A_190, %max3A_176 : f32
    %mul3A_192 = arith.mulf %mul3A_191, %mul3A_189 : f32
    %mul3A_193 = arith.mulf %mul3A_192, %mul3A_189 : f32
    %sub3A_194 = arith.constant 1.500000e+00 : f32
    %sub3A_195 = arith.subf %sub3A_194, %mul3A_193 : f32
    %mul3A_196 = arith.mulf %mul3A_189, %sub3A_195 : f32
    %mul3A_197 = arith.constant 5.000000e-01 : f32
    %mul3A_198 = arith.mulf %mul3A_197, %max3A_176 : f32
    %mul3A_199 = arith.mulf %mul3A_198, %mul3A_196 : f32
    %mul3A_200 = arith.mulf %mul3A_199, %mul3A_196 : f32
    %sub3A_201 = arith.constant 1.500000e+00 : f32
    %sub3A_202 = arith.subf %sub3A_201, %mul3A_200 : f32
    %mul3A_203 = arith.mulf %mul3A_196, %sub3A_202 : f32
    %mul3A_204 = arith.mulf %mul3A_170, %mul3A_203 : f32
    %eq3A_205 = arith.constant 2 : i32
    %eq3A_206 = vector.broadcast %eq3A_205 : i32 to vector<16xi32>
    %eq3A_207 = arith.cmpi eq, %iota3A, %eq3A_206 : vector<16xi32>
    %broadcast_in_dim3A_208 = vector.broadcast %mul3A_204 : f32 to vector<16xf32>
    %select_n3A_209 = arith.select %eq3A_207, %broadcast_in_dim3A_208, %select_n3A_165 : vector<16xi1>, vector<16xf32>
    %reduce_sum3A_210 = arith.constant true
    %reduce_sum3A_211 = vector.broadcast %reduce_sum3A_210 : i1 to vector<16xi1>
    %reduce_sum3A_212 = tpu.scan <sum>, %parallel_loop3A_48#4 masked %reduce_sum3A_211 : vector<16xf32>, vector<16xi1> -> vector<16xf32>
    %reduce_sum3A_213 = vector.extract %reduce_sum3A_212[15] : f32 from vector<16xf32>
    %mul3A_214 = arith.mulf %reduce_sum3A_213, %mul3A_76 : f32
    %reduce_sum3A_215 = arith.constant true
    %reduce_sum3A_216 = vector.broadcast %reduce_sum3A_215 : i1 to vector<16xi1>
    %reduce_sum3A_217 = tpu.scan <sum>, %parallel_loop3A_48#8 masked %reduce_sum3A_216 : vector<16xf32>, vector<16xi1> -> vector<16xf32>
    %reduce_sum3A_218 = vector.extract %reduce_sum3A_217[15] : f32 from vector<16xf32>
    %max3A_219 = arith.constant 1.000000e-24 : f32
    %max3A_220 = arith.maximumf %reduce_sum3A_218, %max3A_219 : f32
    %bitcast_convert_type3A_221 = arith.bitcast %max3A_220 : f32 to i32
    %shift_right_logical3A_222 = arith.constant 1 : i32
    %shift_right_logical3A_223 = arith.shrui %bitcast_convert_type3A_221, %shift_right_logical3A_222 : i32
    %sub3A_224 = arith.constant 1597463007 : i32
    %sub3A_225 = arith.subi %sub3A_224, %shift_right_logical3A_223 : i32
    %bitcast_convert_type3A_226 = arith.bitcast %sub3A_225 : i32 to f32
    %mul3A_227 = arith.constant 5.000000e-01 : f32
    %mul3A_228 = arith.mulf %mul3A_227, %max3A_220 : f32
    %mul3A_229 = arith.mulf %mul3A_228, %bitcast_convert_type3A_226 : f32
    %mul3A_230 = arith.mulf %mul3A_229, %bitcast_convert_type3A_226 : f32
    %sub3A_231 = arith.constant 1.500000e+00 : f32
    %sub3A_232 = arith.subf %sub3A_231, %mul3A_230 : f32
    %mul3A_233 = arith.mulf %bitcast_convert_type3A_226, %sub3A_232 : f32
    %mul3A_234 = arith.constant 5.000000e-01 : f32
    %mul3A_235 = arith.mulf %mul3A_234, %max3A_220 : f32
    %mul3A_236 = arith.mulf %mul3A_235, %mul3A_233 : f32
    %mul3A_237 = arith.mulf %mul3A_236, %mul3A_233 : f32
    %sub3A_238 = arith.constant 1.500000e+00 : f32
    %sub3A_239 = arith.subf %sub3A_238, %mul3A_237 : f32
    %mul3A_240 = arith.mulf %mul3A_233, %sub3A_239 : f32
    %mul3A_241 = arith.constant 5.000000e-01 : f32
    %mul3A_242 = arith.mulf %mul3A_241, %max3A_220 : f32
    %mul3A_243 = arith.mulf %mul3A_242, %mul3A_240 : f32
    %mul3A_244 = arith.mulf %mul3A_243, %mul3A_240 : f32
    %sub3A_245 = arith.constant 1.500000e+00 : f32
    %sub3A_246 = arith.subf %sub3A_245, %mul3A_244 : f32
    %mul3A_247 = arith.mulf %mul3A_240, %sub3A_246 : f32
    %mul3A_248 = arith.mulf %mul3A_214, %mul3A_247 : f32
    %eq3A_249 = arith.constant 3 : i32
    %eq3A_250 = vector.broadcast %eq3A_249 : i32 to vector<16xi32>
    %eq3A_251 = arith.cmpi eq, %iota3A, %eq3A_250 : vector<16xi32>
    %broadcast_in_dim3A_252 = vector.broadcast %mul3A_248 : f32 to vector<16xf32>
    %select_n3A_253 = arith.select %eq3A_251, %broadcast_in_dim3A_252, %select_n3A_209 : vector<16xi1>, vector<16xf32>
    %swap3A = arith.constant 0 : i32
    %swap3A_254 = arith.index_cast %swap3A : i32 to index
    %swap3A_255 = arith.constant 0 : index
    %swap3A_256 = tpu.vector_load %arg10[%swap3A_254, %swap3A_255] {strides = array<i32>} : memref<2x16xf32, #tpu.memory_space<vmem>>, vector<16xf32>,
    tpu.vector_store %arg10[%swap3A_254, %swap3A_255], %select_n3A_253 {strides = array<i32>} : memref<2x16xf32, #tpu.memory_space<vmem>>, vector<16xf32>,
    %exp3A = math.exp %select_n3A_253 : vector<16xf32>
    %swap3A_257 = arith.constant 1 : i32
    %swap3A_258 = arith.index_cast %swap3A_257 : i32 to index
    %swap3A_259 = arith.constant 0 : index
    %swap3A_260 = tpu.vector_load %arg10[%swap3A_258, %swap3A_259] {strides = array<i32>} : memref<2x16xf32, #tpu.memory_space<vmem>>, vector<16xf32>,
    tpu.vector_store %arg10[%swap3A_258, %swap3A_259], %exp3A {strides = array<i32>} : memref<2x16xf32, #tpu.memory_space<vmem>>, vector<16xf32>,
    "tpu.region"() ({
      %run_scoped3A = tpu.sem_alloc : memref<!tpu.dma_semaphore, #tpu.memory_space<semaphore_mem>>
      %dma_start3A_266 = arith.constant 0 : i32
      %dma_start3A_267 = arith.constant 0 : i32
      %dma_start3A_268 = tpu.memref_slice %arg7[%arg1, %dma_start3A_266, %dma_start3A_267] : memref<16x2x16xf32, #tpu.memory_space<hbm>> -> memref<1x2x16xf32, #tpu.memory_space<hbm>>
      %dma_start3A_269 = tpu.memref_squeeze %dma_start3A_268 : memref<1x2x16xf32, #tpu.memory_space<hbm>> -> memref<2x16xf32, #tpu.memory_space<hbm>>
      %dma_start3A_270 = arith.constant 0 : i32
      %dma_start3A_271 = arith.constant 0 : i32
      %dma_start3A_272 = tpu.memref_slice %arg7[%arg1, %dma_start3A_270, %dma_start3A_271] : memref<16x2x16xf32, #tpu.memory_space<hbm>> -> memref<1x2x16xf32, #tpu.memory_space<hbm>>
      %dma_start3A_273 = tpu.memref_squeeze %dma_start3A_272 : memref<1x2x16xf32, #tpu.memory_space<hbm>> -> memref<2x16xf32, #tpu.memory_space<hbm>>
      tpu.enqueue_dma source(%arg10 : memref<2x16xf32, #tpu.memory_space<vmem>>) target(%dma_start3A_273 : memref<2x16xf32, #tpu.memory_space<hbm>>) target_semaphore(%run_scoped3A : memref<!tpu.dma_semaphore, #tpu.memory_space<semaphore_mem>>)
      %dma_wait3A_274 = arith.constant 0 : i32
      %dma_wait3A_275 = arith.constant 0 : i32
      %dma_wait3A_276 = tpu.memref_slice %arg7[%arg1, %dma_wait3A_274, %dma_wait3A_275] : memref<16x2x16xf32, #tpu.memory_space<hbm>> -> memref<1x2x16xf32, #tpu.memory_space<hbm>>
      %dma_wait3A_277 = tpu.memref_squeeze %dma_wait3A_276 : memref<1x2x16xf32, #tpu.memory_space<hbm>> -> memref<2x16xf32, #tpu.memory_space<hbm>>
      %dma_wait3A_278 = arith.constant 0 : i32
      %dma_wait3A_279 = arith.constant 0 : i32
      %dma_wait3A_280 = tpu.memref_slice %arg7[%arg1, %dma_wait3A_278, %dma_wait3A_279] : memref<16x2x16xf32, #tpu.memory_space<hbm>> -> memref<1x2x16xf32, #tpu.memory_space<hbm>>
      %dma_wait3A_281 = tpu.memref_squeeze %dma_wait3A_280 : memref<1x2x16xf32, #tpu.memory_space<hbm>> -> memref<2x16xf32, #tpu.memory_space<hbm>>
      tpu.wait_dma2 semaphore(%run_scoped3A : memref<!tpu.dma_semaphore, #tpu.memory_space<semaphore_mem>>) src(%arg10 : memref<2x16xf32, #tpu.memory_space<vmem>>) dst(%dma_wait3A_281 : memref<2x16xf32, #tpu.memory_space<hbm>>)
      tpu.yield
    }) : () -> ()
    %barrier3A = arith.constant 0 : index
    tpu.barrier barrier_id(%barrier3A)
    %eq3A_261 = arith.constant 0 : i32
    %eq3A_262 = arith.cmpi eq, %arg1, %eq3A_261 : i32
    %convert_element_type3A_263 = arith.extui %eq3A_262 : i1 to i32
    %cond3A_264 = arith.constant 0 : i32
    %cond3A_265 = arith.cmpi ne, %convert_element_type3A_263, %cond3A_264 : i32
    scf.if %cond3A_265 {
      "tpu.region"() ({
        %run_scoped3A = tpu.sem_alloc : memref<!tpu.dma_semaphore, #tpu.memory_space<semaphore_mem>>
        tpu.enqueue_dma source(%arg7 : memref<16x2x16xf32, #tpu.memory_space<hbm>>) target(%arg11 : memref<16x2x16xf32, #tpu.memory_space<vmem>>) target_semaphore(%run_scoped3A : memref<!tpu.dma_semaphore, #tpu.memory_space<semaphore_mem>>)
        tpu.wait_dma2 semaphore(%run_scoped3A : memref<!tpu.dma_semaphore, #tpu.memory_space<semaphore_mem>>) src(%arg7 : memref<16x2x16xf32, #tpu.memory_space<hbm>>) dst(%arg11 : memref<16x2x16xf32, #tpu.memory_space<vmem>>)
        tpu.yield
      }) : () -> ()
      tpu.wait_dma2 semaphore(%arg18 : memref<!tpu.dma_semaphore, #tpu.memory_space<semaphore_mem>>) src(%arg4 : memref<16xf32, #tpu.memory_space<hbm>>) dst(%arg14 : memref<16xf32, #tpu.memory_space<vmem>>)
      %broadcast_in_dim3A_266 = arith.constant -3.000000e+38 : f32
      %broadcast_in_dim3A_267 = vector.broadcast %broadcast_in_dim3A_266 : f32 to vector<16xf32>
      %broadcast_in_dim3A_268 = arith.constant 0 : i32
      %broadcast_in_dim3A_269 = vector.broadcast %broadcast_in_dim3A_268 : i32 to vector<16xi32>
      %broadcast_in_dim3A_270 = arith.constant 0.000000e+00 : f32
      %broadcast_in_dim3A_271 = vector.broadcast %broadcast_in_dim3A_270 : f32 to vector<16xf32>
      %broadcast_in_dim3A_272 = arith.constant 0.000000e+00 : f32
      %broadcast_in_dim3A_273 = vector.broadcast %broadcast_in_dim3A_272 : f32 to vector<16xf32>
      %lt3A = arith.constant 4 : i32
      %lt3A_274 = vector.broadcast %lt3A : i32 to vector<16xi32>
      %lt3A_275 = arith.cmpi slt, %iota3A, %lt3A_274 : vector<16xi32>
      %get3A = arith.constant 0 : i32
      %get3A_276 = arith.constant 0 : i32
      %get3A_277 = arith.index_cast %get3A : i32 to index
      %get3A_278 = arith.index_cast %get3A_276 : i32 to index
      %get3A_279 = arith.constant 0 : index
      %get3A_280 = tpu.vector_load %arg11[%get3A_277, %get3A_278, %get3A_279] {strides = array<i32>} : memref<16x2x16xf32, #tpu.memory_space<vmem>>, vector<16xf32>,
      %jit3A = arith.constant -1.000000e+30 : f32
      %broadcast_in_dim3A_281 = vector.broadcast %jit3A : f32 to vector<16xf32>
      %select_n3A_282 = arith.select %lt3A_275, %get3A_280, %broadcast_in_dim3A_281 : vector<16xi1>, vector<16xf32>
      %lt3A_283 = arith.constant 4 : i32
      %lt3A_284 = vector.broadcast %lt3A_283 : i32 to vector<16xi32>
      %lt3A_285 = arith.cmpi slt, %iota3A, %lt3A_284 : vector<16xi32>
      %get3A_286 = arith.constant 0 : i32
      %get3A_287 = arith.constant 1 : i32
      %get3A_288 = arith.index_cast %get3A_286 : i32 to index
      %get3A_289 = arith.index_cast %get3A_287 : i32 to index
      %get3A_290 = arith.constant 0 : index
      %get3A_291 = tpu.vector_load %arg11[%get3A_288, %get3A_289, %get3A_290] {strides = array<i32>} : memref<16x2x16xf32, #tpu.memory_space<vmem>>, vector<16xf32>,
      %jit3A_292 = arith.constant 0.000000e+00 : f32
      %broadcast_in_dim3A_293 = vector.broadcast %jit3A_292 : f32 to vector<16xf32>
      %select_n3A_294 = arith.select %lt3A_285, %get3A_291, %broadcast_in_dim3A_293 : vector<16xi1>, vector<16xf32>
      %gt3A = arith.cmpf ogt, %select_n3A_282, %broadcast_in_dim3A_267 : vector<16xf32>
      %jit3A_295 = arith.constant 0 : i32
      %broadcast_in_dim3A_296 = vector.broadcast %jit3A_295 : i32 to vector<16xi32>
      %select_n3A_297 = arith.select %gt3A, %broadcast_in_dim3A_296, %broadcast_in_dim3A_269 : vector<16xi1>, vector<16xi32>
      %select_n3A_298 = arith.select %gt3A, %select_n3A_282, %broadcast_in_dim3A_267 : vector<16xi1>, vector<16xf32>
      %add3A = arith.addf %broadcast_in_dim3A_271, %select_n3A_294 : vector<16xf32>
      %max3A_299 = arith.maximumf %broadcast_in_dim3A_273, %select_n3A_294 : vector<16xf32>
      %add3A_300 = arith.constant 0 : i32
      %add3A_301 = vector.broadcast %add3A_300 : i32 to vector<16xi32>
      %add3A_302 = arith.addi %iota3A, %add3A_301 : vector<16xi32>
      %lt3A_303 = arith.constant 4 : i32
      %lt3A_304 = vector.broadcast %lt3A_303 : i32 to vector<16xi32>
      %lt3A_305 = arith.cmpi slt, %iota3A, %lt3A_304 : vector<16xi32>
      tpu.vector_store_idx %arg12[%add3A_302], %select_n3A_294 masked %lt3A_305 : memref<80xf32, #tpu.memory_space<vmem>>[vector<16xi32>], vector<16xf32>, vector<16xi1>
      %lt3A_306 = arith.constant 4 : i32
      %lt3A_307 = vector.broadcast %lt3A_306 : i32 to vector<16xi32>
      %lt3A_308 = arith.cmpi slt, %iota3A, %lt3A_307 : vector<16xi32>
      %get3A_309 = arith.constant 1 : i32
      %get3A_310 = arith.constant 0 : i32
      %get3A_311 = arith.index_cast %get3A_309 : i32 to index
      %get3A_312 = arith.index_cast %get3A_310 : i32 to index
      %get3A_313 = arith.constant 0 : index
      %get3A_314 = tpu.vector_load %arg11[%get3A_311, %get3A_312, %get3A_313] {strides = array<i32>} : memref<16x2x16xf32, #tpu.memory_space<vmem>>, vector<16xf32>,
      %jit3A_315 = arith.constant -1.000000e+30 : f32
      %broadcast_in_dim3A_316 = vector.broadcast %jit3A_315 : f32 to vector<16xf32>
      %select_n3A_317 = arith.select %lt3A_308, %get3A_314, %broadcast_in_dim3A_316 : vector<16xi1>, vector<16xf32>
      %lt3A_318 = arith.constant 4 : i32
      %lt3A_319 = vector.broadcast %lt3A_318 : i32 to vector<16xi32>
      %lt3A_320 = arith.cmpi slt, %iota3A, %lt3A_319 : vector<16xi32>
      %get3A_321 = arith.constant 1 : i32
      %get3A_322 = arith.constant 1 : i32
      %get3A_323 = arith.index_cast %get3A_321 : i32 to index
      %get3A_324 = arith.index_cast %get3A_322 : i32 to index
      %get3A_325 = arith.constant 0 : index
      %get3A_326 = tpu.vector_load %arg11[%get3A_323, %get3A_324, %get3A_325] {strides = array<i32>} : memref<16x2x16xf32, #tpu.memory_space<vmem>>, vector<16xf32>,
      %jit3A_327 = arith.constant 0.000000e+00 : f32
      %broadcast_in_dim3A_328 = vector.broadcast %jit3A_327 : f32 to vector<16xf32>
      %select_n3A_329 = arith.select %lt3A_320, %get3A_326, %broadcast_in_dim3A_328 : vector<16xi1>, vector<16xf32>
      %gt3A_330 = arith.cmpf ogt, %select_n3A_317, %select_n3A_298 : vector<16xf32>
      %jit3A_331 = arith.constant 1 : i32
      %broadcast_in_dim3A_332 = vector.broadcast %jit3A_331 : i32 to vector<16xi32>
      %select_n3A_333 = arith.select %gt3A_330, %broadcast_in_dim3A_332, %select_n3A_297 : vector<16xi1>, vector<16xi32>
      %select_n3A_334 = arith.select %gt3A_330, %select_n3A_317, %select_n3A_298 : vector<16xi1>, vector<16xf32>
      %add3A_335 = arith.addf %add3A, %select_n3A_329 : vector<16xf32>
      %max3A_336 = arith.maximumf %max3A_299, %select_n3A_329 : vector<16xf32>
      %add3A_337 = arith.constant 4 : i32
      %add3A_338 = vector.broadcast %add3A_337 : i32 to vector<16xi32>
      %add3A_339 = arith.addi %iota3A, %add3A_338 : vector<16xi32>
      %lt3A_340 = arith.constant 4 : i32
      %lt3A_341 = vector.broadcast %lt3A_340 : i32 to vector<16xi32>
      %lt3A_342 = arith.cmpi slt, %iota3A, %lt3A_341 : vector<16xi32>
      tpu.vector_store_idx %arg12[%add3A_339], %select_n3A_329 masked %lt3A_342 : memref<80xf32, #tpu.memory_space<vmem>>[vector<16xi32>], vector<16xf32>, vector<16xi1>
      %lt3A_343 = arith.constant 4 : i32
      %lt3A_344 = vector.broadcast %lt3A_343 : i32 to vector<16xi32>
      %lt3A_345 = arith.cmpi slt, %iota3A, %lt3A_344 : vector<16xi32>
      %get3A_346 = arith.constant 2 : i32
      %get3A_347 = arith.constant 0 : i32
      %get3A_348 = arith.index_cast %get3A_346 : i32 to index
      %get3A_349 = arith.index_cast %get3A_347 : i32 to index
      %get3A_350 = arith.constant 0 : index
      %get3A_351 = tpu.vector_load %arg11[%get3A_348, %get3A_349, %get3A_350] {strides = array<i32>} : memref<16x2x16xf32, #tpu.memory_space<vmem>>, vector<16xf32>,
      %jit3A_352 = arith.constant -1.000000e+30 : f32
      %broadcast_in_dim3A_353 = vector.broadcast %jit3A_352 : f32 to vector<16xf32>
      %select_n3A_354 = arith.select %lt3A_345, %get3A_351, %broadcast_in_dim3A_353 : vector<16xi1>, vector<16xf32>
      %lt3A_355 = arith.constant 4 : i32
      %lt3A_356 = vector.broadcast %lt3A_355 : i32 to vector<16xi32>
      %lt3A_357 = arith.cmpi slt, %iota3A, %lt3A_356 : vector<16xi32>
      %get3A_358 = arith.constant 2 : i32
      %get3A_359 = arith.constant 1 : i32
      %get3A_360 = arith.index_cast %get3A_358 : i32 to index
      %get3A_361 = arith.index_cast %get3A_359 : i32 to index
      %get3A_362 = arith.constant 0 : index
      %get3A_363 = tpu.vector_load %arg11[%get3A_360, %get3A_361, %get3A_362] {strides = array<i32>} : memref<16x2x16xf32, #tpu.memory_space<vmem>>, vector<16xf32>,
      %jit3A_364 = arith.constant 0.000000e+00 : f32
      %broadcast_in_dim3A_365 = vector.broadcast %jit3A_364 : f32 to vector<16xf32>
      %select_n3A_366 = arith.select %lt3A_357, %get3A_363, %broadcast_in_dim3A_365 : vector<16xi1>, vector<16xf32>
      %gt3A_367 = arith.cmpf ogt, %select_n3A_354, %select_n3A_334 : vector<16xf32>
      %jit3A_368 = arith.constant 2 : i32
      %broadcast_in_dim3A_369 = vector.broadcast %jit3A_368 : i32 to vector<16xi32>
      %select_n3A_370 = arith.select %gt3A_367, %broadcast_in_dim3A_369, %select_n3A_333 : vector<16xi1>, vector<16xi32>
      %select_n3A_371 = arith.select %gt3A_367, %select_n3A_354, %select_n3A_334 : vector<16xi1>, vector<16xf32>
      %add3A_372 = arith.addf %add3A_335, %select_n3A_366 : vector<16xf32>
      %max3A_373 = arith.maximumf %max3A_336, %select_n3A_366 : vector<16xf32>
      %add3A_374 = arith.constant 8 : i32
      %add3A_375 = vector.broadcast %add3A_374 : i32 to vector<16xi32>
      %add3A_376 = arith.addi %iota3A, %add3A_375 : vector<16xi32>
      %lt3A_377 = arith.constant 4 : i32
      %lt3A_378 = vector.broadcast %lt3A_377 : i32 to vector<16xi32>
      %lt3A_379 = arith.cmpi slt, %iota3A, %lt3A_378 : vector<16xi32>
      tpu.vector_store_idx %arg12[%add3A_376], %select_n3A_366 masked %lt3A_379 : memref<80xf32, #tpu.memory_space<vmem>>[vector<16xi32>], vector<16xf32>, vector<16xi1>
      %lt3A_380 = arith.constant 4 : i32
      %lt3A_381 = vector.broadcast %lt3A_380 : i32 to vector<16xi32>
      %lt3A_382 = arith.cmpi slt, %iota3A, %lt3A_381 : vector<16xi32>
      %get3A_383 = arith.constant 3 : i32
      %get3A_384 = arith.constant 0 : i32
      %get3A_385 = arith.index_cast %get3A_383 : i32 to index
      %get3A_386 = arith.index_cast %get3A_384 : i32 to index
      %get3A_387 = arith.constant 0 : index
      %get3A_388 = tpu.vector_load %arg11[%get3A_385, %get3A_386, %get3A_387] {strides = array<i32>} : memref<16x2x16xf32, #tpu.memory_space<vmem>>, vector<16xf32>,
      %jit3A_389 = arith.constant -1.000000e+30 : f32
      %broadcast_in_dim3A_390 = vector.broadcast %jit3A_389 : f32 to vector<16xf32>
      %select_n3A_391 = arith.select %lt3A_382, %get3A_388, %broadcast_in_dim3A_390 : vector<16xi1>, vector<16xf32>
      %lt3A_392 = arith.constant 4 : i32
      %lt3A_393 = vector.broadcast %lt3A_392 : i32 to vector<16xi32>
      %lt3A_394 = arith.cmpi slt, %iota3A, %lt3A_393 : vector<16xi32>
      %get3A_395 = arith.constant 3 : i32
      %get3A_396 = arith.constant 1 : i32
      %get3A_397 = arith.index_cast %get3A_395 : i32 to index
      %get3A_398 = arith.index_cast %get3A_396 : i32 to index
      %get3A_399 = arith.constant 0 : index
      %get3A_400 = tpu.vector_load %arg11[%get3A_397, %get3A_398, %get3A_399] {strides = array<i32>} : memref<16x2x16xf32, #tpu.memory_space<vmem>>, vector<16xf32>,
      %jit3A_401 = arith.constant 0.000000e+00 : f32
      %broadcast_in_dim3A_402 = vector.broadcast %jit3A_401 : f32 to vector<16xf32>
      %select_n3A_403 = arith.select %lt3A_394, %get3A_400, %broadcast_in_dim3A_402 : vector<16xi1>, vector<16xf32>
      %gt3A_404 = arith.cmpf ogt, %select_n3A_391, %select_n3A_371 : vector<16xf32>
      %jit3A_405 = arith.constant 3 : i32
      %broadcast_in_dim3A_406 = vector.broadcast %jit3A_405 : i32 to vector<16xi32>
      %select_n3A_407 = arith.select %gt3A_404, %broadcast_in_dim3A_406, %select_n3A_370 : vector<16xi1>, vector<16xi32>
      %select_n3A_408 = arith.select %gt3A_404, %select_n3A_391, %select_n3A_371 : vector<16xi1>, vector<16xf32>
      %add3A_409 = arith.addf %add3A_372, %select_n3A_403 : vector<16xf32>
      %max3A_410 = arith.maximumf %max3A_373, %select_n3A_403 : vector<16xf32>
      %add3A_411 = arith.constant 12 : i32
      %add3A_412 = vector.broadcast %add3A_411 : i32 to vector<16xi32>
      %add3A_413 = arith.addi %iota3A, %add3A_412 : vector<16xi32>
      %lt3A_414 = arith.constant 4 : i32
      %lt3A_415 = vector.broadcast %lt3A_414 : i32 to vector<16xi32>
      %lt3A_416 = arith.cmpi slt, %iota3A, %lt3A_415 : vector<16xi32>
      tpu.vector_store_idx %arg12[%add3A_413], %select_n3A_403 masked %lt3A_416 : memref<80xf32, #tpu.memory_space<vmem>>[vector<16xi32>], vector<16xf32>, vector<16xi1>
      %lt3A_417 = arith.constant 4 : i32
      %lt3A_418 = vector.broadcast %lt3A_417 : i32 to vector<16xi32>
      %lt3A_419 = arith.cmpi slt, %iota3A, %lt3A_418 : vector<16xi32>
      %get3A_420 = arith.constant 4 : i32
      %get3A_421 = arith.constant 0 : i32
      %get3A_422 = arith.index_cast %get3A_420 : i32 to index
      %get3A_423 = arith.index_cast %get3A_421 : i32 to index
      %get3A_424 = arith.constant 0 : index
      %get3A_425 = tpu.vector_load %arg11[%get3A_422, %get3A_423, %get3A_424] {strides = array<i32>} : memref<16x2x16xf32, #tpu.memory_space<vmem>>, vector<16xf32>,
      %jit3A_426 = arith.constant -1.000000e+30 : f32
      %broadcast_in_dim3A_427 = vector.broadcast %jit3A_426 : f32 to vector<16xf32>
      %select_n3A_428 = arith.select %lt3A_419, %get3A_425, %broadcast_in_dim3A_427 : vector<16xi1>, vector<16xf32>
      %lt3A_429 = arith.constant 4 : i32
      %lt3A_430 = vector.broadcast %lt3A_429 : i32 to vector<16xi32>
      %lt3A_431 = arith.cmpi slt, %iota3A, %lt3A_430 : vector<16xi32>
      %get3A_432 = arith.constant 4 : i32
      %get3A_433 = arith.constant 1 : i32
      %get3A_434 = arith.index_cast %get3A_432 : i32 to index
      %get3A_435 = arith.index_cast %get3A_433 : i32 to index
      %get3A_436 = arith.constant 0 : index
      %get3A_437 = tpu.vector_load %arg11[%get3A_434, %get3A_435, %get3A_436] {strides = array<i32>} : memref<16x2x16xf32, #tpu.memory_space<vmem>>, vector<16xf32>,
      %jit3A_438 = arith.constant 0.000000e+00 : f32
      %broadcast_in_dim3A_439 = vector.broadcast %jit3A_438 : f32 to vector<16xf32>
      %select_n3A_440 = arith.select %lt3A_431, %get3A_437, %broadcast_in_dim3A_439 : vector<16xi1>, vector<16xf32>
      %gt3A_441 = arith.cmpf ogt, %select_n3A_428, %select_n3A_408 : vector<16xf32>
      %jit3A_442 = arith.constant 4 : i32
      %broadcast_in_dim3A_443 = vector.broadcast %jit3A_442 : i32 to vector<16xi32>
      %select_n3A_444 = arith.select %gt3A_441, %broadcast_in_dim3A_443, %select_n3A_407 : vector<16xi1>, vector<16xi32>
      %select_n3A_445 = arith.select %gt3A_441, %select_n3A_428, %select_n3A_408 : vector<16xi1>, vector<16xf32>
      %add3A_446 = arith.addf %add3A_409, %select_n3A_440 : vector<16xf32>
      %max3A_447 = arith.maximumf %max3A_410, %select_n3A_440 : vector<16xf32>
      %add3A_448 = arith.constant 16 : i32
      %add3A_449 = vector.broadcast %add3A_448 : i32 to vector<16xi32>
      %add3A_450 = arith.addi %iota3A, %add3A_449 : vector<16xi32>
      %lt3A_451 = arith.constant 4 : i32
      %lt3A_452 = vector.broadcast %lt3A_451 : i32 to vector<16xi32>
      %lt3A_453 = arith.cmpi slt, %iota3A, %lt3A_452 : vector<16xi32>
      tpu.vector_store_idx %arg12[%add3A_450], %select_n3A_440 masked %lt3A_453 : memref<80xf32, #tpu.memory_space<vmem>>[vector<16xi32>], vector<16xf32>, vector<16xi1>
      %lt3A_454 = arith.constant 4 : i32
      %lt3A_455 = vector.broadcast %lt3A_454 : i32 to vector<16xi32>
      %lt3A_456 = arith.cmpi slt, %iota3A, %lt3A_455 : vector<16xi32>
      %get3A_457 = arith.constant 5 : i32
      %get3A_458 = arith.constant 0 : i32
      %get3A_459 = arith.index_cast %get3A_457 : i32 to index
      %get3A_460 = arith.index_cast %get3A_458 : i32 to index
      %get3A_461 = arith.constant 0 : index
      %get3A_462 = tpu.vector_load %arg11[%get3A_459, %get3A_460, %get3A_461] {strides = array<i32>} : memref<16x2x16xf32, #tpu.memory_space<vmem>>, vector<16xf32>,
      %jit3A_463 = arith.constant -1.000000e+30 : f32
      %broadcast_in_dim3A_464 = vector.broadcast %jit3A_463 : f32 to vector<16xf32>
      %select_n3A_465 = arith.select %lt3A_456, %get3A_462, %broadcast_in_dim3A_464 : vector<16xi1>, vector<16xf32>
      %lt3A_466 = arith.constant 4 : i32
      %lt3A_467 = vector.broadcast %lt3A_466 : i32 to vector<16xi32>
      %lt3A_468 = arith.cmpi slt, %iota3A, %lt3A_467 : vector<16xi32>
      %get3A_469 = arith.constant 5 : i32
      %get3A_470 = arith.constant 1 : i32
      %get3A_471 = arith.index_cast %get3A_469 : i32 to index
      %get3A_472 = arith.index_cast %get3A_470 : i32 to index
      %get3A_473 = arith.constant 0 : index
      %get3A_474 = tpu.vector_load %arg11[%get3A_471, %get3A_472, %get3A_473] {strides = array<i32>} : memref<16x2x16xf32, #tpu.memory_space<vmem>>, vector<16xf32>,
      %jit3A_475 = arith.constant 0.000000e+00 : f32
      %broadcast_in_dim3A_476 = vector.broadcast %jit3A_475 : f32 to vector<16xf32>
      %select_n3A_477 = arith.select %lt3A_468, %get3A_474, %broadcast_in_dim3A_476 : vector<16xi1>, vector<16xf32>
      %gt3A_478 = arith.cmpf ogt, %select_n3A_465, %select_n3A_445 : vector<16xf32>
      %jit3A_479 = arith.constant 5 : i32
      %broadcast_in_dim3A_480 = vector.broadcast %jit3A_479 : i32 to vector<16xi32>
      %select_n3A_481 = arith.select %gt3A_478, %broadcast_in_dim3A_480, %select_n3A_444 : vector<16xi1>, vector<16xi32>
      %select_n3A_482 = arith.select %gt3A_478, %select_n3A_465, %select_n3A_445 : vector<16xi1>, vector<16xf32>
      %add3A_483 = arith.addf %add3A_446, %select_n3A_477 : vector<16xf32>
      %max3A_484 = arith.maximumf %max3A_447, %select_n3A_477 : vector<16xf32>
      %add3A_485 = arith.constant 20 : i32
      %add3A_486 = vector.broadcast %add3A_485 : i32 to vector<16xi32>
      %add3A_487 = arith.addi %iota3A, %add3A_486 : vector<16xi32>
      %lt3A_488 = arith.constant 4 : i32
      %lt3A_489 = vector.broadcast %lt3A_488 : i32 to vector<16xi32>
      %lt3A_490 = arith.cmpi slt, %iota3A, %lt3A_489 : vector<16xi32>
      tpu.vector_store_idx %arg12[%add3A_487], %select_n3A_477 masked %lt3A_490 : memref<80xf32, #tpu.memory_space<vmem>>[vector<16xi32>], vector<16xf32>, vector<16xi1>
      %lt3A_491 = arith.constant 4 : i32
      %lt3A_492 = vector.broadcast %lt3A_491 : i32 to vector<16xi32>
      %lt3A_493 = arith.cmpi slt, %iota3A, %lt3A_492 : vector<16xi32>
      %get3A_494 = arith.constant 6 : i32
      %get3A_495 = arith.constant 0 : i32
      %get3A_496 = arith.index_cast %get3A_494 : i32 to index
      %get3A_497 = arith.index_cast %get3A_495 : i32 to index
      %get3A_498 = arith.constant 0 : index
      %get3A_499 = tpu.vector_load %arg11[%get3A_496, %get3A_497, %get3A_498] {strides = array<i32>} : memref<16x2x16xf32, #tpu.memory_space<vmem>>, vector<16xf32>,
      %jit3A_500 = arith.constant -1.000000e+30 : f32
      %broadcast_in_dim3A_501 = vector.broadcast %jit3A_500 : f32 to vector<16xf32>
      %select_n3A_502 = arith.select %lt3A_493, %get3A_499, %broadcast_in_dim3A_501 : vector<16xi1>, vector<16xf32>
      %lt3A_503 = arith.constant 4 : i32
      %lt3A_504 = vector.broadcast %lt3A_503 : i32 to vector<16xi32>
      %lt3A_505 = arith.cmpi slt, %iota3A, %lt3A_504 : vector<16xi32>
      %get3A_506 = arith.constant 6 : i32
      %get3A_507 = arith.constant 1 : i32
      %get3A_508 = arith.index_cast %get3A_506 : i32 to index
      %get3A_509 = arith.index_cast %get3A_507 : i32 to index
      %get3A_510 = arith.constant 0 : index
      %get3A_511 = tpu.vector_load %arg11[%get3A_508, %get3A_509, %get3A_510] {strides = array<i32>} : memref<16x2x16xf32, #tpu.memory_space<vmem>>, vector<16xf32>,
      %jit3A_512 = arith.constant 0.000000e+00 : f32
      %broadcast_in_dim3A_513 = vector.broadcast %jit3A_512 : f32 to vector<16xf32>
      %select_n3A_514 = arith.select %lt3A_505, %get3A_511, %broadcast_in_dim3A_513 : vector<16xi1>, vector<16xf32>
      %gt3A_515 = arith.cmpf ogt, %select_n3A_502, %select_n3A_482 : vector<16xf32>
      %jit3A_516 = arith.constant 6 : i32
      %broadcast_in_dim3A_517 = vector.broadcast %jit3A_516 : i32 to vector<16xi32>
      %select_n3A_518 = arith.select %gt3A_515, %broadcast_in_dim3A_517, %select_n3A_481 : vector<16xi1>, vector<16xi32>
      %select_n3A_519 = arith.select %gt3A_515, %select_n3A_502, %select_n3A_482 : vector<16xi1>, vector<16xf32>
      %add3A_520 = arith.addf %add3A_483, %select_n3A_514 : vector<16xf32>
      %max3A_521 = arith.maximumf %max3A_484, %select_n3A_514 : vector<16xf32>
      %add3A_522 = arith.constant 24 : i32
      %add3A_523 = vector.broadcast %add3A_522 : i32 to vector<16xi32>
      %add3A_524 = arith.addi %iota3A, %add3A_523 : vector<16xi32>
      %lt3A_525 = arith.constant 4 : i32
      %lt3A_526 = vector.broadcast %lt3A_525 : i32 to vector<16xi32>
      %lt3A_527 = arith.cmpi slt, %iota3A, %lt3A_526 : vector<16xi32>
      tpu.vector_store_idx %arg12[%add3A_524], %select_n3A_514 masked %lt3A_527 : memref<80xf32, #tpu.memory_space<vmem>>[vector<16xi32>], vector<16xf32>, vector<16xi1>
      %lt3A_528 = arith.constant 4 : i32
      %lt3A_529 = vector.broadcast %lt3A_528 : i32 to vector<16xi32>
      %lt3A_530 = arith.cmpi slt, %iota3A, %lt3A_529 : vector<16xi32>
      %get3A_531 = arith.constant 7 : i32
      %get3A_532 = arith.constant 0 : i32
      %get3A_533 = arith.index_cast %get3A_531 : i32 to index
      %get3A_534 = arith.index_cast %get3A_532 : i32 to index
      %get3A_535 = arith.constant 0 : index
      %get3A_536 = tpu.vector_load %arg11[%get3A_533, %get3A_534, %get3A_535] {strides = array<i32>} : memref<16x2x16xf32, #tpu.memory_space<vmem>>, vector<16xf32>,
      %jit3A_537 = arith.constant -1.000000e+30 : f32
      %broadcast_in_dim3A_538 = vector.broadcast %jit3A_537 : f32 to vector<16xf32>
      %select_n3A_539 = arith.select %lt3A_530, %get3A_536, %broadcast_in_dim3A_538 : vector<16xi1>, vector<16xf32>
      %lt3A_540 = arith.constant 4 : i32
      %lt3A_541 = vector.broadcast %lt3A_540 : i32 to vector<16xi32>
      %lt3A_542 = arith.cmpi slt, %iota3A, %lt3A_541 : vector<16xi32>
      %get3A_543 = arith.constant 7 : i32
      %get3A_544 = arith.constant 1 : i32
      %get3A_545 = arith.index_cast %get3A_543 : i32 to index
      %get3A_546 = arith.index_cast %get3A_544 : i32 to index
      %get3A_547 = arith.constant 0 : index
      %get3A_548 = tpu.vector_load %arg11[%get3A_545, %get3A_546, %get3A_547] {strides = array<i32>} : memref<16x2x16xf32, #tpu.memory_space<vmem>>, vector<16xf32>,
      %jit3A_549 = arith.constant 0.000000e+00 : f32
      %broadcast_in_dim3A_550 = vector.broadcast %jit3A_549 : f32 to vector<16xf32>
      %select_n3A_551 = arith.select %lt3A_542, %get3A_548, %broadcast_in_dim3A_550 : vector<16xi1>, vector<16xf32>
      %gt3A_552 = arith.cmpf ogt, %select_n3A_539, %select_n3A_519 : vector<16xf32>
      %jit3A_553 = arith.constant 7 : i32
      %broadcast_in_dim3A_554 = vector.broadcast %jit3A_553 : i32 to vector<16xi32>
      %select_n3A_555 = arith.select %gt3A_552, %broadcast_in_dim3A_554, %select_n3A_518 : vector<16xi1>, vector<16xi32>
      %select_n3A_556 = arith.select %gt3A_552, %select_n3A_539, %select_n3A_519 : vector<16xi1>, vector<16xf32>
      %add3A_557 = arith.addf %add3A_520, %select_n3A_551 : vector<16xf32>
      %max3A_558 = arith.maximumf %max3A_521, %select_n3A_551 : vector<16xf32>
      %add3A_559 = arith.constant 28 : i32
      %add3A_560 = vector.broadcast %add3A_559 : i32 to vector<16xi32>
      %add3A_561 = arith.addi %iota3A, %add3A_560 : vector<16xi32>
      %lt3A_562 = arith.constant 4 : i32
      %lt3A_563 = vector.broadcast %lt3A_562 : i32 to vector<16xi32>
      %lt3A_564 = arith.cmpi slt, %iota3A, %lt3A_563 : vector<16xi32>
      tpu.vector_store_idx %arg12[%add3A_561], %select_n3A_551 masked %lt3A_564 : memref<80xf32, #tpu.memory_space<vmem>>[vector<16xi32>], vector<16xf32>, vector<16xi1>
      %lt3A_565 = arith.constant 4 : i32
      %lt3A_566 = vector.broadcast %lt3A_565 : i32 to vector<16xi32>
      %lt3A_567 = arith.cmpi slt, %iota3A, %lt3A_566 : vector<16xi32>
      %get3A_568 = arith.constant 8 : i32
      %get3A_569 = arith.constant 0 : i32
      %get3A_570 = arith.index_cast %get3A_568 : i32 to index
      %get3A_571 = arith.index_cast %get3A_569 : i32 to index
      %get3A_572 = arith.constant 0 : index
      %get3A_573 = tpu.vector_load %arg11[%get3A_570, %get3A_571, %get3A_572] {strides = array<i32>} : memref<16x2x16xf32, #tpu.memory_space<vmem>>, vector<16xf32>,
      %jit3A_574 = arith.constant -1.000000e+30 : f32
      %broadcast_in_dim3A_575 = vector.broadcast %jit3A_574 : f32 to vector<16xf32>
      %select_n3A_576 = arith.select %lt3A_567, %get3A_573, %broadcast_in_dim3A_575 : vector<16xi1>, vector<16xf32>
      %lt3A_577 = arith.constant 4 : i32
      %lt3A_578 = vector.broadcast %lt3A_577 : i32 to vector<16xi32>
      %lt3A_579 = arith.cmpi slt, %iota3A, %lt3A_578 : vector<16xi32>
      %get3A_580 = arith.constant 8 : i32
      %get3A_581 = arith.constant 1 : i32
      %get3A_582 = arith.index_cast %get3A_580 : i32 to index
      %get3A_583 = arith.index_cast %get3A_581 : i32 to index
      %get3A_584 = arith.constant 0 : index
      %get3A_585 = tpu.vector_load %arg11[%get3A_582, %get3A_583, %get3A_584] {strides = array<i32>} : memref<16x2x16xf32, #tpu.memory_space<vmem>>, vector<16xf32>,
      %jit3A_586 = arith.constant 0.000000e+00 : f32
      %broadcast_in_dim3A_587 = vector.broadcast %jit3A_586 : f32 to vector<16xf32>
      %select_n3A_588 = arith.select %lt3A_579, %get3A_585, %broadcast_in_dim3A_587 : vector<16xi1>, vector<16xf32>
      %gt3A_589 = arith.cmpf ogt, %select_n3A_576, %select_n3A_556 : vector<16xf32>
      %jit3A_590 = arith.constant 8 : i32
      %broadcast_in_dim3A_591 = vector.broadcast %jit3A_590 : i32 to vector<16xi32>
      %select_n3A_592 = arith.select %gt3A_589, %broadcast_in_dim3A_591, %select_n3A_555 : vector<16xi1>, vector<16xi32>
      %select_n3A_593 = arith.select %gt3A_589, %select_n3A_576, %select_n3A_556 : vector<16xi1>, vector<16xf32>
      %add3A_594 = arith.addf %add3A_557, %select_n3A_588 : vector<16xf32>
      %max3A_595 = arith.maximumf %max3A_558, %select_n3A_588 : vector<16xf32>
      %add3A_596 = arith.constant 32 : i32
      %add3A_597 = vector.broadcast %add3A_596 : i32 to vector<16xi32>
      %add3A_598 = arith.addi %iota3A, %add3A_597 : vector<16xi32>
      %lt3A_599 = arith.constant 4 : i32
      %lt3A_600 = vector.broadcast %lt3A_599 : i32 to vector<16xi32>
      %lt3A_601 = arith.cmpi slt, %iota3A, %lt3A_600 : vector<16xi32>
      tpu.vector_store_idx %arg12[%add3A_598], %select_n3A_588 masked %lt3A_601 : memref<80xf32, #tpu.memory_space<vmem>>[vector<16xi32>], vector<16xf32>, vector<16xi1>
      %lt3A_602 = arith.constant 4 : i32
      %lt3A_603 = vector.broadcast %lt3A_602 : i32 to vector<16xi32>
      %lt3A_604 = arith.cmpi slt, %iota3A, %lt3A_603 : vector<16xi32>
      %get3A_605 = arith.constant 9 : i32
      %get3A_606 = arith.constant 0 : i32
      %get3A_607 = arith.index_cast %get3A_605 : i32 to index
      %get3A_608 = arith.index_cast %get3A_606 : i32 to index
      %get3A_609 = arith.constant 0 : index
      %get3A_610 = tpu.vector_load %arg11[%get3A_607, %get3A_608, %get3A_609] {strides = array<i32>} : memref<16x2x16xf32, #tpu.memory_space<vmem>>, vector<16xf32>,
      %jit3A_611 = arith.constant -1.000000e+30 : f32
      %broadcast_in_dim3A_612 = vector.broadcast %jit3A_611 : f32 to vector<16xf32>
      %select_n3A_613 = arith.select %lt3A_604, %get3A_610, %broadcast_in_dim3A_612 : vector<16xi1>, vector<16xf32>
      %lt3A_614 = arith.constant 4 : i32
      %lt3A_615 = vector.broadcast %lt3A_614 : i32 to vector<16xi32>
      %lt3A_616 = arith.cmpi slt, %iota3A, %lt3A_615 : vector<16xi32>
      %get3A_617 = arith.constant 9 : i32
      %get3A_618 = arith.constant 1 : i32
      %get3A_619 = arith.index_cast %get3A_617 : i32 to index
      %get3A_620 = arith.index_cast %get3A_618 : i32 to index
      %get3A_621 = arith.constant 0 : index
      %get3A_622 = tpu.vector_load %arg11[%get3A_619, %get3A_620, %get3A_621] {strides = array<i32>} : memref<16x2x16xf32, #tpu.memory_space<vmem>>, vector<16xf32>,
      %jit3A_623 = arith.constant 0.000000e+00 : f32
      %broadcast_in_dim3A_624 = vector.broadcast %jit3A_623 : f32 to vector<16xf32>
      %select_n3A_625 = arith.select %lt3A_616, %get3A_622, %broadcast_in_dim3A_624 : vector<16xi1>, vector<16xf32>
      %gt3A_626 = arith.cmpf ogt, %select_n3A_613, %select_n3A_593 : vector<16xf32>
      %jit3A_627 = arith.constant 9 : i32
      %broadcast_in_dim3A_628 = vector.broadcast %jit3A_627 : i32 to vector<16xi32>
      %select_n3A_629 = arith.select %gt3A_626, %broadcast_in_dim3A_628, %select_n3A_592 : vector<16xi1>, vector<16xi32>
      %select_n3A_630 = arith.select %gt3A_626, %select_n3A_613, %select_n3A_593 : vector<16xi1>, vector<16xf32>
      %add3A_631 = arith.addf %add3A_594, %select_n3A_625 : vector<16xf32>
      %max3A_632 = arith.maximumf %max3A_595, %select_n3A_625 : vector<16xf32>
      %add3A_633 = arith.constant 36 : i32
      %add3A_634 = vector.broadcast %add3A_633 : i32 to vector<16xi32>
      %add3A_635 = arith.addi %iota3A, %add3A_634 : vector<16xi32>
      %lt3A_636 = arith.constant 4 : i32
      %lt3A_637 = vector.broadcast %lt3A_636 : i32 to vector<16xi32>
      %lt3A_638 = arith.cmpi slt, %iota3A, %lt3A_637 : vector<16xi32>
      tpu.vector_store_idx %arg12[%add3A_635], %select_n3A_625 masked %lt3A_638 : memref<80xf32, #tpu.memory_space<vmem>>[vector<16xi32>], vector<16xf32>, vector<16xi1>
      %lt3A_639 = arith.constant 4 : i32
      %lt3A_640 = vector.broadcast %lt3A_639 : i32 to vector<16xi32>
      %lt3A_641 = arith.cmpi slt, %iota3A, %lt3A_640 : vector<16xi32>
      %get3A_642 = arith.constant 10 : i32
      %get3A_643 = arith.constant 0 : i32
      %get3A_644 = arith.index_cast %get3A_642 : i32 to index
      %get3A_645 = arith.index_cast %get3A_643 : i32 to index
      %get3A_646 = arith.constant 0 : index
      %get3A_647 = tpu.vector_load %arg11[%get3A_644, %get3A_645, %get3A_646] {strides = array<i32>} : memref<16x2x16xf32, #tpu.memory_space<vmem>>, vector<16xf32>,
      %jit3A_648 = arith.constant -1.000000e+30 : f32
      %broadcast_in_dim3A_649 = vector.broadcast %jit3A_648 : f32 to vector<16xf32>
      %select_n3A_650 = arith.select %lt3A_641, %get3A_647, %broadcast_in_dim3A_649 : vector<16xi1>, vector<16xf32>
      %lt3A_651 = arith.constant 4 : i32
      %lt3A_652 = vector.broadcast %lt3A_651 : i32 to vector<16xi32>
      %lt3A_653 = arith.cmpi slt, %iota3A, %lt3A_652 : vector<16xi32>
      %get3A_654 = arith.constant 10 : i32
      %get3A_655 = arith.constant 1 : i32
      %get3A_656 = arith.index_cast %get3A_654 : i32 to index
      %get3A_657 = arith.index_cast %get3A_655 : i32 to index
      %get3A_658 = arith.constant 0 : index
      %get3A_659 = tpu.vector_load %arg11[%get3A_656, %get3A_657, %get3A_658] {strides = array<i32>} : memref<16x2x16xf32, #tpu.memory_space<vmem>>, vector<16xf32>,
      %jit3A_660 = arith.constant 0.000000e+00 : f32
      %broadcast_in_dim3A_661 = vector.broadcast %jit3A_660 : f32 to vector<16xf32>
      %select_n3A_662 = arith.select %lt3A_653, %get3A_659, %broadcast_in_dim3A_661 : vector<16xi1>, vector<16xf32>
      %gt3A_663 = arith.cmpf ogt, %select_n3A_650, %select_n3A_630 : vector<16xf32>
      %jit3A_664 = arith.constant 10 : i32
      %broadcast_in_dim3A_665 = vector.broadcast %jit3A_664 : i32 to vector<16xi32>
      %select_n3A_666 = arith.select %gt3A_663, %broadcast_in_dim3A_665, %select_n3A_629 : vector<16xi1>, vector<16xi32>
      %select_n3A_667 = arith.select %gt3A_663, %select_n3A_650, %select_n3A_630 : vector<16xi1>, vector<16xf32>
      %add3A_668 = arith.addf %add3A_631, %select_n3A_662 : vector<16xf32>
      %max3A_669 = arith.maximumf %max3A_632, %select_n3A_662 : vector<16xf32>
      %add3A_670 = arith.constant 40 : i32
      %add3A_671 = vector.broadcast %add3A_670 : i32 to vector<16xi32>
      %add3A_672 = arith.addi %iota3A, %add3A_671 : vector<16xi32>
      %lt3A_673 = arith.constant 4 : i32
      %lt3A_674 = vector.broadcast %lt3A_673 : i32 to vector<16xi32>
      %lt3A_675 = arith.cmpi slt, %iota3A, %lt3A_674 : vector<16xi32>
      tpu.vector_store_idx %arg12[%add3A_672], %select_n3A_662 masked %lt3A_675 : memref<80xf32, #tpu.memory_space<vmem>>[vector<16xi32>], vector<16xf32>, vector<16xi1>
      %lt3A_676 = arith.constant 4 : i32
      %lt3A_677 = vector.broadcast %lt3A_676 : i32 to vector<16xi32>
      %lt3A_678 = arith.cmpi slt, %iota3A, %lt3A_677 : vector<16xi32>
      %get3A_679 = arith.constant 11 : i32
      %get3A_680 = arith.constant 0 : i32
      %get3A_681 = arith.index_cast %get3A_679 : i32 to index
      %get3A_682 = arith.index_cast %get3A_680 : i32 to index
      %get3A_683 = arith.constant 0 : index
      %get3A_684 = tpu.vector_load %arg11[%get3A_681, %get3A_682, %get3A_683] {strides = array<i32>} : memref<16x2x16xf32, #tpu.memory_space<vmem>>, vector<16xf32>,
      %jit3A_685 = arith.constant -1.000000e+30 : f32
      %broadcast_in_dim3A_686 = vector.broadcast %jit3A_685 : f32 to vector<16xf32>
      %select_n3A_687 = arith.select %lt3A_678, %get3A_684, %broadcast_in_dim3A_686 : vector<16xi1>, vector<16xf32>
      %lt3A_688 = arith.constant 4 : i32
      %lt3A_689 = vector.broadcast %lt3A_688 : i32 to vector<16xi32>
      %lt3A_690 = arith.cmpi slt, %iota3A, %lt3A_689 : vector<16xi32>
      %get3A_691 = arith.constant 11 : i32
      %get3A_692 = arith.constant 1 : i32
      %get3A_693 = arith.index_cast %get3A_691 : i32 to index
      %get3A_694 = arith.index_cast %get3A_692 : i32 to index
      %get3A_695 = arith.constant 0 : index
      %get3A_696 = tpu.vector_load %arg11[%get3A_693, %get3A_694, %get3A_695] {strides = array<i32>} : memref<16x2x16xf32, #tpu.memory_space<vmem>>, vector<16xf32>,
      %jit3A_697 = arith.constant 0.000000e+00 : f32
      %broadcast_in_dim3A_698 = vector.broadcast %jit3A_697 : f32 to vector<16xf32>
      %select_n3A_699 = arith.select %lt3A_690, %get3A_696, %broadcast_in_dim3A_698 : vector<16xi1>, vector<16xf32>
      %gt3A_700 = arith.cmpf ogt, %select_n3A_687, %select_n3A_667 : vector<16xf32>
      %jit3A_701 = arith.constant 11 : i32
      %broadcast_in_dim3A_702 = vector.broadcast %jit3A_701 : i32 to vector<16xi32>
      %select_n3A_703 = arith.select %gt3A_700, %broadcast_in_dim3A_702, %select_n3A_666 : vector<16xi1>, vector<16xi32>
      %select_n3A_704 = arith.select %gt3A_700, %select_n3A_687, %select_n3A_667 : vector<16xi1>, vector<16xf32>
      %add3A_705 = arith.addf %add3A_668, %select_n3A_699 : vector<16xf32>
      %max3A_706 = arith.maximumf %max3A_669, %select_n3A_699 : vector<16xf32>
      %add3A_707 = arith.constant 44 : i32
      %add3A_708 = vector.broadcast %add3A_707 : i32 to vector<16xi32>
      %add3A_709 = arith.addi %iota3A, %add3A_708 : vector<16xi32>
      %lt3A_710 = arith.constant 4 : i32
      %lt3A_711 = vector.broadcast %lt3A_710 : i32 to vector<16xi32>
      %lt3A_712 = arith.cmpi slt, %iota3A, %lt3A_711 : vector<16xi32>
      tpu.vector_store_idx %arg12[%add3A_709], %select_n3A_699 masked %lt3A_712 : memref<80xf32, #tpu.memory_space<vmem>>[vector<16xi32>], vector<16xf32>, vector<16xi1>
      %lt3A_713 = arith.constant 4 : i32
      %lt3A_714 = vector.broadcast %lt3A_713 : i32 to vector<16xi32>
      %lt3A_715 = arith.cmpi slt, %iota3A, %lt3A_714 : vector<16xi32>
      %get3A_716 = arith.constant 12 : i32
      %get3A_717 = arith.constant 0 : i32
      %get3A_718 = arith.index_cast %get3A_716 : i32 to index
      %get3A_719 = arith.index_cast %get3A_717 : i32 to index
      %get3A_720 = arith.constant 0 : index
      %get3A_721 = tpu.vector_load %arg11[%get3A_718, %get3A_719, %get3A_720] {strides = array<i32>} : memref<16x2x16xf32, #tpu.memory_space<vmem>>, vector<16xf32>,
      %jit3A_722 = arith.constant -1.000000e+30 : f32
      %broadcast_in_dim3A_723 = vector.broadcast %jit3A_722 : f32 to vector<16xf32>
      %select_n3A_724 = arith.select %lt3A_715, %get3A_721, %broadcast_in_dim3A_723 : vector<16xi1>, vector<16xf32>
      %lt3A_725 = arith.constant 4 : i32
      %lt3A_726 = vector.broadcast %lt3A_725 : i32 to vector<16xi32>
      %lt3A_727 = arith.cmpi slt, %iota3A, %lt3A_726 : vector<16xi32>
      %get3A_728 = arith.constant 12 : i32
      %get3A_729 = arith.constant 1 : i32
      %get3A_730 = arith.index_cast %get3A_728 : i32 to index
      %get3A_731 = arith.index_cast %get3A_729 : i32 to index
      %get3A_732 = arith.constant 0 : index
      %get3A_733 = tpu.vector_load %arg11[%get3A_730, %get3A_731, %get3A_732] {strides = array<i32>} : memref<16x2x16xf32, #tpu.memory_space<vmem>>, vector<16xf32>,
      %jit3A_734 = arith.constant 0.000000e+00 : f32
      %broadcast_in_dim3A_735 = vector.broadcast %jit3A_734 : f32 to vector<16xf32>
      %select_n3A_736 = arith.select %lt3A_727, %get3A_733, %broadcast_in_dim3A_735 : vector<16xi1>, vector<16xf32>
      %gt3A_737 = arith.cmpf ogt, %select_n3A_724, %select_n3A_704 : vector<16xf32>
      %jit3A_738 = arith.constant 12 : i32
      %broadcast_in_dim3A_739 = vector.broadcast %jit3A_738 : i32 to vector<16xi32>
      %select_n3A_740 = arith.select %gt3A_737, %broadcast_in_dim3A_739, %select_n3A_703 : vector<16xi1>, vector<16xi32>
      %select_n3A_741 = arith.select %gt3A_737, %select_n3A_724, %select_n3A_704 : vector<16xi1>, vector<16xf32>
      %add3A_742 = arith.addf %add3A_705, %select_n3A_736 : vector<16xf32>
      %max3A_743 = arith.maximumf %max3A_706, %select_n3A_736 : vector<16xf32>
      %add3A_744 = arith.constant 48 : i32
      %add3A_745 = vector.broadcast %add3A_744 : i32 to vector<16xi32>
      %add3A_746 = arith.addi %iota3A, %add3A_745 : vector<16xi32>
      %lt3A_747 = arith.constant 4 : i32
      %lt3A_748 = vector.broadcast %lt3A_747 : i32 to vector<16xi32>
      %lt3A_749 = arith.cmpi slt, %iota3A, %lt3A_748 : vector<16xi32>
      tpu.vector_store_idx %arg12[%add3A_746], %select_n3A_736 masked %lt3A_749 : memref<80xf32, #tpu.memory_space<vmem>>[vector<16xi32>], vector<16xf32>, vector<16xi1>
      %lt3A_750 = arith.constant 4 : i32
      %lt3A_751 = vector.broadcast %lt3A_750 : i32 to vector<16xi32>
      %lt3A_752 = arith.cmpi slt, %iota3A, %lt3A_751 : vector<16xi32>
      %get3A_753 = arith.constant 13 : i32
      %get3A_754 = arith.constant 0 : i32
      %get3A_755 = arith.index_cast %get3A_753 : i32 to index
      %get3A_756 = arith.index_cast %get3A_754 : i32 to index
      %get3A_757 = arith.constant 0 : index
      %get3A_758 = tpu.vector_load %arg11[%get3A_755, %get3A_756, %get3A_757] {strides = array<i32>} : memref<16x2x16xf32, #tpu.memory_space<vmem>>, vector<16xf32>,
      %jit3A_759 = arith.constant -1.000000e+30 : f32
      %broadcast_in_dim3A_760 = vector.broadcast %jit3A_759 : f32 to vector<16xf32>
      %select_n3A_761 = arith.select %lt3A_752, %get3A_758, %broadcast_in_dim3A_760 : vector<16xi1>, vector<16xf32>
      %lt3A_762 = arith.constant 4 : i32
      %lt3A_763 = vector.broadcast %lt3A_762 : i32 to vector<16xi32>
      %lt3A_764 = arith.cmpi slt, %iota3A, %lt3A_763 : vector<16xi32>
      %get3A_765 = arith.constant 13 : i32
      %get3A_766 = arith.constant 1 : i32
      %get3A_767 = arith.index_cast %get3A_765 : i32 to index
      %get3A_768 = arith.index_cast %get3A_766 : i32 to index
      %get3A_769 = arith.constant 0 : index
      %get3A_770 = tpu.vector_load %arg11[%get3A_767, %get3A_768, %get3A_769] {strides = array<i32>} : memref<16x2x16xf32, #tpu.memory_space<vmem>>, vector<16xf32>,
      %jit3A_771 = arith.constant 0.000000e+00 : f32
      %broadcast_in_dim3A_772 = vector.broadcast %jit3A_771 : f32 to vector<16xf32>
      %select_n3A_773 = arith.select %lt3A_764, %get3A_770, %broadcast_in_dim3A_772 : vector<16xi1>, vector<16xf32>
      %gt3A_774 = arith.cmpf ogt, %select_n3A_761, %select_n3A_741 : vector<16xf32>
      %jit3A_775 = arith.constant 13 : i32
      %broadcast_in_dim3A_776 = vector.broadcast %jit3A_775 : i32 to vector<16xi32>
      %select_n3A_777 = arith.select %gt3A_774, %broadcast_in_dim3A_776, %select_n3A_740 : vector<16xi1>, vector<16xi32>
      %select_n3A_778 = arith.select %gt3A_774, %select_n3A_761, %select_n3A_741 : vector<16xi1>, vector<16xf32>
      %add3A_779 = arith.addf %add3A_742, %select_n3A_773 : vector<16xf32>
      %max3A_780 = arith.maximumf %max3A_743, %select_n3A_773 : vector<16xf32>
      %add3A_781 = arith.constant 52 : i32
      %add3A_782 = vector.broadcast %add3A_781 : i32 to vector<16xi32>
      %add3A_783 = arith.addi %iota3A, %add3A_782 : vector<16xi32>
      %lt3A_784 = arith.constant 4 : i32
      %lt3A_785 = vector.broadcast %lt3A_784 : i32 to vector<16xi32>
      %lt3A_786 = arith.cmpi slt, %iota3A, %lt3A_785 : vector<16xi32>
      tpu.vector_store_idx %arg12[%add3A_783], %select_n3A_773 masked %lt3A_786 : memref<80xf32, #tpu.memory_space<vmem>>[vector<16xi32>], vector<16xf32>, vector<16xi1>
      %lt3A_787 = arith.constant 4 : i32
      %lt3A_788 = vector.broadcast %lt3A_787 : i32 to vector<16xi32>
      %lt3A_789 = arith.cmpi slt, %iota3A, %lt3A_788 : vector<16xi32>
      %get3A_790 = arith.constant 14 : i32
      %get3A_791 = arith.constant 0 : i32
      %get3A_792 = arith.index_cast %get3A_790 : i32 to index
      %get3A_793 = arith.index_cast %get3A_791 : i32 to index
      %get3A_794 = arith.constant 0 : index
      %get3A_795 = tpu.vector_load %arg11[%get3A_792, %get3A_793, %get3A_794] {strides = array<i32>} : memref<16x2x16xf32, #tpu.memory_space<vmem>>, vector<16xf32>,
      %jit3A_796 = arith.constant -1.000000e+30 : f32
      %broadcast_in_dim3A_797 = vector.broadcast %jit3A_796 : f32 to vector<16xf32>
      %select_n3A_798 = arith.select %lt3A_789, %get3A_795, %broadcast_in_dim3A_797 : vector<16xi1>, vector<16xf32>
      %lt3A_799 = arith.constant 4 : i32
      %lt3A_800 = vector.broadcast %lt3A_799 : i32 to vector<16xi32>
      %lt3A_801 = arith.cmpi slt, %iota3A, %lt3A_800 : vector<16xi32>
      %get3A_802 = arith.constant 14 : i32
      %get3A_803 = arith.constant 1 : i32
      %get3A_804 = arith.index_cast %get3A_802 : i32 to index
      %get3A_805 = arith.index_cast %get3A_803 : i32 to index
      %get3A_806 = arith.constant 0 : index
      %get3A_807 = tpu.vector_load %arg11[%get3A_804, %get3A_805, %get3A_806] {strides = array<i32>} : memref<16x2x16xf32, #tpu.memory_space<vmem>>, vector<16xf32>,
      %jit3A_808 = arith.constant 0.000000e+00 : f32
      %broadcast_in_dim3A_809 = vector.broadcast %jit3A_808 : f32 to vector<16xf32>
      %select_n3A_810 = arith.select %lt3A_801, %get3A_807, %broadcast_in_dim3A_809 : vector<16xi1>, vector<16xf32>
      %gt3A_811 = arith.cmpf ogt, %select_n3A_798, %select_n3A_778 : vector<16xf32>
      %jit3A_812 = arith.constant 14 : i32
      %broadcast_in_dim3A_813 = vector.broadcast %jit3A_812 : i32 to vector<16xi32>
      %select_n3A_814 = arith.select %gt3A_811, %broadcast_in_dim3A_813, %select_n3A_777 : vector<16xi1>, vector<16xi32>
      %select_n3A_815 = arith.select %gt3A_811, %select_n3A_798, %select_n3A_778 : vector<16xi1>, vector<16xf32>
      %add3A_816 = arith.addf %add3A_779, %select_n3A_810 : vector<16xf32>
      %max3A_817 = arith.maximumf %max3A_780, %select_n3A_810 : vector<16xf32>
      %add3A_818 = arith.constant 56 : i32
      %add3A_819 = vector.broadcast %add3A_818 : i32 to vector<16xi32>
      %add3A_820 = arith.addi %iota3A, %add3A_819 : vector<16xi32>
      %lt3A_821 = arith.constant 4 : i32
      %lt3A_822 = vector.broadcast %lt3A_821 : i32 to vector<16xi32>
      %lt3A_823 = arith.cmpi slt, %iota3A, %lt3A_822 : vector<16xi32>
      tpu.vector_store_idx %arg12[%add3A_820], %select_n3A_810 masked %lt3A_823 : memref<80xf32, #tpu.memory_space<vmem>>[vector<16xi32>], vector<16xf32>, vector<16xi1>
      %lt3A_824 = arith.constant 4 : i32
      %lt3A_825 = vector.broadcast %lt3A_824 : i32 to vector<16xi32>
      %lt3A_826 = arith.cmpi slt, %iota3A, %lt3A_825 : vector<16xi32>
      %get3A_827 = arith.constant 15 : i32
      %get3A_828 = arith.constant 0 : i32
      %get3A_829 = arith.index_cast %get3A_827 : i32 to index
      %get3A_830 = arith.index_cast %get3A_828 : i32 to index
      %get3A_831 = arith.constant 0 : index
      %get3A_832 = tpu.vector_load %arg11[%get3A_829, %get3A_830, %get3A_831] {strides = array<i32>} : memref<16x2x16xf32, #tpu.memory_space<vmem>>, vector<16xf32>,
      %jit3A_833 = arith.constant -1.000000e+30 : f32
      %broadcast_in_dim3A_834 = vector.broadcast %jit3A_833 : f32 to vector<16xf32>
      %select_n3A_835 = arith.select %lt3A_826, %get3A_832, %broadcast_in_dim3A_834 : vector<16xi1>, vector<16xf32>
      %lt3A_836 = arith.constant 4 : i32
      %lt3A_837 = vector.broadcast %lt3A_836 : i32 to vector<16xi32>
      %lt3A_838 = arith.cmpi slt, %iota3A, %lt3A_837 : vector<16xi32>
      %get3A_839 = arith.constant 15 : i32
      %get3A_840 = arith.constant 1 : i32
      %get3A_841 = arith.index_cast %get3A_839 : i32 to index
      %get3A_842 = arith.index_cast %get3A_840 : i32 to index
      %get3A_843 = arith.constant 0 : index
      %get3A_844 = tpu.vector_load %arg11[%get3A_841, %get3A_842, %get3A_843] {strides = array<i32>} : memref<16x2x16xf32, #tpu.memory_space<vmem>>, vector<16xf32>,
      %jit3A_845 = arith.constant 0.000000e+00 : f32
      %broadcast_in_dim3A_846 = vector.broadcast %jit3A_845 : f32 to vector<16xf32>
      %select_n3A_847 = arith.select %lt3A_838, %get3A_844, %broadcast_in_dim3A_846 : vector<16xi1>, vector<16xf32>
      %gt3A_848 = arith.cmpf ogt, %select_n3A_835, %select_n3A_815 : vector<16xf32>
      %jit3A_849 = arith.constant 15 : i32
      %broadcast_in_dim3A_850 = vector.broadcast %jit3A_849 : i32 to vector<16xi32>
      %select_n3A_851 = arith.select %gt3A_848, %broadcast_in_dim3A_850, %select_n3A_814 : vector<16xi1>, vector<16xi32>
      %select_n3A_852 = arith.select %gt3A_848, %select_n3A_835, %select_n3A_815 : vector<16xi1>, vector<16xf32>
      %add3A_853 = arith.addf %add3A_816, %select_n3A_847 : vector<16xf32>
      %max3A_854 = arith.maximumf %max3A_817, %select_n3A_847 : vector<16xf32>
      %add3A_855 = arith.constant 60 : i32
      %add3A_856 = vector.broadcast %add3A_855 : i32 to vector<16xi32>
      %add3A_857 = arith.addi %iota3A, %add3A_856 : vector<16xi32>
      %lt3A_858 = arith.constant 4 : i32
      %lt3A_859 = vector.broadcast %lt3A_858 : i32 to vector<16xi32>
      %lt3A_860 = arith.cmpi slt, %iota3A, %lt3A_859 : vector<16xi32>
      tpu.vector_store_idx %arg12[%add3A_857], %select_n3A_847 masked %lt3A_860 : memref<80xf32, #tpu.memory_space<vmem>>[vector<16xi32>], vector<16xf32>, vector<16xi1>
      %reduce_max3A = arith.constant true
      %reduce_max3A_861 = vector.broadcast %reduce_max3A : i1 to vector<16xi1>
      %reduce_max3A_862 = tpu.scan <max>, %select_n3A_852 masked %reduce_max3A_861 : vector<16xf32>, vector<16xi1> -> vector<16xf32>
      %reduce_max3A_863 = vector.extract %reduce_max3A_862[15] : f32 from vector<16xf32>
      %mul3A_864 = arith.constant 4 : i32
      %mul3A_865 = vector.broadcast %mul3A_864 : i32 to vector<16xi32>
      %mul3A_866 = arith.muli %select_n3A_851, %mul3A_865 : vector<16xi32>
      %add3A_867 = arith.addi %mul3A_866, %iota3A : vector<16xi32>
      %eq3A_868 = vector.broadcast %reduce_max3A_863 : f32 to vector<16xf32>
      %eq3A_869 = arith.cmpf oeq, %select_n3A_852, %eq3A_868 : vector<16xf32>
      %jit3A_870 = arith.constant 1073741824 : i32
      %broadcast_in_dim3A_871 = vector.broadcast %jit3A_870 : i32 to vector<16xi32>
      %select_n3A_872 = arith.select %eq3A_869, %add3A_867, %broadcast_in_dim3A_871 : vector<16xi1>, vector<16xi32>
      %reduce_min3A = arith.constant true
      %reduce_min3A_873 = vector.broadcast %reduce_min3A : i1 to vector<16xi1>
      %reduce_min3A_874 = arith.constant -2147483648 : i32
      %reduce_min3A_875 = vector.broadcast %reduce_min3A_874 : i32 to vector<16xi32>
      %reduce_min3A_876 = arith.xori %select_n3A_872, %reduce_min3A_875 : vector<16xi32>
      %reduce_min3A_877 = tpu.scan <min>, %reduce_min3A_876 masked %reduce_min3A_873 : vector<16xi32>, vector<16xi1> -> vector<16xi32>
      %reduce_min3A_878 = arith.xori %reduce_min3A_877, %reduce_min3A_875 : vector<16xi32>
      %reduce_min3A_879 = vector.extract %reduce_min3A_878[15] : i32 from vector<16xi32>
      %eq3A_880 = arith.constant 0 : i32
      %eq3A_881 = vector.broadcast %eq3A_880 : i32 to vector<16xi32>
      %eq3A_882 = arith.cmpi eq, %iota3A, %eq3A_881 : vector<16xi32>
      %reduce_max3A_883 = arith.constant true
      %reduce_max3A_884 = vector.broadcast %reduce_max3A_883 : i1 to vector<16xi1>
      %reduce_max3A_885 = tpu.scan <max>, %max3A_854 masked %reduce_max3A_884 : vector<16xf32>, vector<16xi1> -> vector<16xf32>
      %reduce_max3A_886 = vector.extract %reduce_max3A_885[15] : f32 from vector<16xf32>
      %get3A_887 = arith.constant 0 : index
      %get3A_888 = tpu.vector_load %arg14[%get3A_887] {strides = array<i32>} : memref<16xf32, #tpu.memory_space<vmem>>, vector<16xf32>,
      %neg3A = arith.constant 0.000000e+00 : f32
      %neg3A_889 = vector.broadcast %neg3A : f32 to vector<16xf32>
      %neg3A_890 = arith.subf %neg3A_889, %get3A_888 : vector<16xf32>
      %exp3A_891 = math.exp %neg3A_890 : vector<16xf32>
      %mul3A_892 = vector.broadcast %reduce_max3A_886 : f32 to vector<16xf32>
      %mul3A_893 = arith.mulf %mul3A_892, %exp3A_891 : vector<16xf32>
      %jit3A_894 = arith.constant 0.000000e+00 : f32
      %broadcast_in_dim3A_895 = vector.broadcast %jit3A_894 : f32 to vector<16xf32>
      %select_n3A_896 = arith.select %eq3A_882, %mul3A_893, %broadcast_in_dim3A_895 : vector<16xi1>, vector<16xf32>
      %swap3A_897 = arith.constant 64 : index
      %swap3A_898 = tpu.vector_load %arg12[%swap3A_897] {strides = array<i32>} : memref<80xf32, #tpu.memory_space<vmem>>, vector<16xf32>,
      tpu.vector_store %arg12[%swap3A_897], %select_n3A_896 {strides = array<i32>} : memref<80xf32, #tpu.memory_space<vmem>>, vector<16xf32>,
      %add3A_899 = arith.addf %add3A_853, %select_n3A_896 : vector<16xf32>
      %reduce_sum3A_900 = arith.constant true
      %reduce_sum3A_901 = vector.broadcast %reduce_sum3A_900 : i1 to vector<16xi1>
      %reduce_sum3A_902 = tpu.scan <sum>, %add3A_899 masked %reduce_sum3A_901 : vector<16xf32>, vector<16xi1> -> vector<16xf32>
      %reduce_sum3A_903 = vector.extract %reduce_sum3A_902[15] : f32 from vector<16xf32>
      %broadcast_in_dim3A_904 = vector.broadcast %reduce_sum3A_903 : f32 to vector<16xf32>
      %get3A_905 = arith.constant 0 : index
      %get3A_906 = tpu.vector_load %arg12[%get3A_905] {strides = array<i32>} : memref<80xf32, #tpu.memory_space<vmem>>, vector<16xf32>,
      %div3A = arith.divf %get3A_906, %broadcast_in_dim3A_904 : vector<16xf32>
      %swap3A_907 = arith.constant 0 : index
      %swap3A_908 = tpu.vector_load %arg12[%swap3A_907] {strides = array<i32>} : memref<80xf32, #tpu.memory_space<vmem>>, vector<16xf32>,
      tpu.vector_store %arg12[%swap3A_907], %div3A {strides = array<i32>} : memref<80xf32, #tpu.memory_space<vmem>>, vector<16xf32>,
      %get3A_909 = arith.constant 16 : index
      %get3A_910 = tpu.vector_load %arg12[%get3A_909] {strides = array<i32>} : memref<80xf32, #tpu.memory_space<vmem>>, vector<16xf32>,
      %div3A_911 = arith.divf %get3A_910, %broadcast_in_dim3A_904 : vector<16xf32>
      %swap3A_912 = arith.constant 16 : index
      %swap3A_913 = tpu.vector_load %arg12[%swap3A_912] {strides = array<i32>} : memref<80xf32, #tpu.memory_space<vmem>>, vector<16xf32>,
      tpu.vector_store %arg12[%swap3A_912], %div3A_911 {strides = array<i32>} : memref<80xf32, #tpu.memory_space<vmem>>, vector<16xf32>,
      %get3A_914 = arith.constant 32 : index
      %get3A_915 = tpu.vector_load %arg12[%get3A_914] {strides = array<i32>} : memref<80xf32, #tpu.memory_space<vmem>>, vector<16xf32>,
      %div3A_916 = arith.divf %get3A_915, %broadcast_in_dim3A_904 : vector<16xf32>
      %swap3A_917 = arith.constant 32 : index
      %swap3A_918 = tpu.vector_load %arg12[%swap3A_917] {strides = array<i32>} : memref<80xf32, #tpu.memory_space<vmem>>, vector<16xf32>,
      tpu.vector_store %arg12[%swap3A_917], %div3A_916 {strides = array<i32>} : memref<80xf32, #tpu.memory_space<vmem>>, vector<16xf32>,
      %get3A_919 = arith.constant 48 : index
      %get3A_920 = tpu.vector_load %arg12[%get3A_919] {strides = array<i32>} : memref<80xf32, #tpu.memory_space<vmem>>, vector<16xf32>,
      %div3A_921 = arith.divf %get3A_920, %broadcast_in_dim3A_904 : vector<16xf32>
      %swap3A_922 = arith.constant 48 : index
      %swap3A_923 = tpu.vector_load %arg12[%swap3A_922] {strides = array<i32>} : memref<80xf32, #tpu.memory_space<vmem>>, vector<16xf32>,
      tpu.vector_store %arg12[%swap3A_922], %div3A_921 {strides = array<i32>} : memref<80xf32, #tpu.memory_space<vmem>>, vector<16xf32>,
      %get3A_924 = arith.constant 64 : index
      %get3A_925 = tpu.vector_load %arg12[%get3A_924] {strides = array<i32>} : memref<80xf32, #tpu.memory_space<vmem>>, vector<16xf32>,
      %div3A_926 = arith.divf %get3A_925, %broadcast_in_dim3A_904 : vector<16xf32>
      %swap3A_927 = arith.constant 64 : index
      %swap3A_928 = tpu.vector_load %arg12[%swap3A_927] {strides = array<i32>} : memref<80xf32, #tpu.memory_space<vmem>>, vector<16xf32>,
      tpu.vector_store %arg12[%swap3A_927], %div3A_926 {strides = array<i32>} : memref<80xf32, #tpu.memory_space<vmem>>, vector<16xf32>,
      %broadcast_in_dim3A_929 = arith.constant 0 : i32
      %broadcast_in_dim3A_930 = vector.broadcast %broadcast_in_dim3A_929 : i32 to vector<16xi32>
      %add3A_931 = vector.broadcast %reduce_min3A_879 : i32 to vector<16xi32>
      %add3A_932 = arith.addi %broadcast_in_dim3A_930, %add3A_931 : vector<16xi32>
      %swap3A_933 = arith.constant 0 : index
      %swap3A_934 = tpu.vector_load %arg13[%swap3A_933] {strides = array<i32>} : memref<16xi32, #tpu.memory_space<vmem>>, vector<16xi32>,
      tpu.vector_store %arg13[%swap3A_933], %add3A_932 {strides = array<i32>} : memref<16xi32, #tpu.memory_space<vmem>>, vector<16xi32>,
      tpu.enqueue_dma source(%arg12 : memref<80xf32, #tpu.memory_space<vmem>>) target(%arg5 : memref<80xf32, #tpu.memory_space<hbm>>) target_semaphore(%arg19 : memref<!tpu.dma_semaphore, #tpu.memory_space<semaphore_mem>>)
      tpu.enqueue_dma source(%arg13 : memref<16xi32, #tpu.memory_space<vmem>>) target(%arg6 : memref<16xi32, #tpu.memory_space<hbm>>) target_semaphore(%arg20 : memref<!tpu.dma_semaphore, #tpu.memory_space<semaphore_mem>>)
      tpu.wait_dma2 semaphore(%arg19 : memref<!tpu.dma_semaphore, #tpu.memory_space<semaphore_mem>>) src(%arg12 : memref<80xf32, #tpu.memory_space<vmem>>) dst(%arg5 : memref<80xf32, #tpu.memory_space<hbm>>)
      tpu.wait_dma2 semaphore(%arg20 : memref<!tpu.dma_semaphore, #tpu.memory_space<semaphore_mem>>) src(%arg13 : memref<16xi32, #tpu.memory_space<vmem>>) dst(%arg6 : memref<16xi32, #tpu.memory_space<hbm>>)
    } else {
    }
    return
  }
}

</mosaic_0001>

<sc_bundles>
// kernel: kernel.3.cloned.1.call-start
scs
__scs_entry_jumppad:
0x0: {  	(pc) =	sbr.rel $0x88, $3  }
0x1: {  	(tag) =	ssettag $0x0;
	lr =	simm.s32 $0x1  }
0x2: {  	[smem:$0x3F9E] =	sst lr;
	_ =	strace $0xD0000000  }
0x3: {  	_ = 	snop  }
0x4: {  	_ = 	snop  }
0x5: {  	_ = 	snop  }
0x6: {  	_ = 	snop  }
0x7: {  	_ = 	snop  }
__scs_overlays_trampoline_lowered:
0x8: {  	[smem:$0x3FAD] =	sst s0  }
0x9: {  	[smem:$0x3FAE] =	sst s1  }
0xa: {  	[smem:$0x3FAF] =	sst s2  }
0xb: {  	[smem:$0x3FB0] =	sst s3  }
0xc: {  	[smem:$0x3FB1] =	sst s4  }
0xd: {  	[smem:$0x3FB2] =	sst s5  }
0xe: {  	[smem:$0x3FB3] =	sst s6  }
0xf: {  	[smem:$0x3FB4] =	sst s7  }
0x10: {  	[smem:$0x3FB5] =	sst s8  }
0x11: {  	[smem:$0x3FB6] =	sst s9;
	s0 =	simm.s32 @!p0 $0x0  }
0x12: {  	s1 =	sld [smem:$0x3F9C];
	s0 =	simm.s32 @p0 $0x1  }
0x13: {  	[smem:$0x3FB7] =	sst s0;
	s0 =	simm.s32 @!p1 $0x0  }
0x14: {  	s2 =	sld [smem:$0x3F9B];
	s0 =	simm.s32 @p1 $0x1  }
0x15: {  	[smem:$0x3FB8] =	sst s0;
	s0 =	simm.s32 @!p2 $0x0  }
0x16: {  	s3 =	sld [smem:$0x3FDB];
	s0 =	simm.s32 @p2 $0x1  }
0x17: {  	s4 =	simm.s32 $0x1BF5;
	[smem:$0x3FBA] =	sst s0  }
0x18: {  	s0 =	sld [smem:$0x3F9D];
	_ =	swait.ge [sflag:s4], $0x0  }
0x19: {  	s7 =	sld [smem:$0x3F9E]  }
0x1a: {  	s8 =	sadd.s32 $0xFFFFE003, lr  }
0x1b: {  	s9 =	sadd.s32 $0xFFFFFEF7, lr;
	s5 =	simm.s32 $0xFFFFFFFF;
	p2 =	slt.u32 s8, $0xFFFFF086  }
0x1c: {  	p1 =	slt.u32 s9, $0xF7A;
	s5 =	simm.s32 @!p2 $0x0  }
0x1d: {  	s5 =	simm.s32 @p1 $0x1;
	p0 =	seq.s32 s7, s2  }
0x1e: {  	s7 =	smul.u32 @!p0 $0xF7A, s2;
	p2 =	seq.s32 @!p0 s5, $0x0  }
0x1f: {  	s9 =	smul.u32 $0xF7A, s1;
	s8 =	simm.s32 @!p0 $0x1BF5;
	p2 =	por !p2, p0  }
0x20: {  	[sflag:s8] =	ssyncset.s32 @!p0 $0xFFFFF086;
	s6 =	sadd.s32 @!p0 s3, s7;
	s7 =	simm.s32 @!p0 $0x108  }
0x21: {  	s3 =	sadd.s32 s3, s9;
	s6 =	sadd.s32 @!p0 $0x88, s6;
	s7 =	simm.s32 @p2 $0x1082  }
0x22: {  	[simem:s7], [sflag:s8] =	dma.local @!p0 [hbm:s6], $0xF7A  }
0x23: {  	s9 =	sor.u32 $0xD0000000, s2;
	s6 =	simm.s32 $0x108;
	_ =	swait.ge @!p0 [sflag:s8], $0x0  }
0x24: {  	s3 =	sadd.s32 $0x88, s3;
	s6 =	simm.s32 @!p1 $0x1082;
	[sflag:s4] =	ssyncset.s32 $0xFFFFF086  }
0x25: {  	[simem:s6], [sflag:s4] =	dma.local [hbm:s3], $0xF7A  }
0x26: {  	[smem:$0x3F9E] =	sst s1;
	(tag) =	ssettag s2;
	_ =	strace s9  }
0x27: {  	s1 =	sld [smem:$0x3FAE]  }
0x28: {  	s2 =	sld [smem:$0x3FAF]  }
0x29: {  	s4 =	sld [smem:$0x3FB1]  }
0x2a: {  	p0 =	seq.s32 s5, $0x0;
	s5 =	sld [smem:$0x3FB2]  }
0x2b: {  	s6 =	sld [smem:$0x3FB3]  }
0x2c: {  	s7 =	sld [smem:$0x3FB4]  }
0x2d: {  	s3 =	simm.s32 $0x108;
	s8 =	sld [smem:$0x3FB5]  }
0x2e: {  	s3 =	simm.s32 @!p0 $0x1082;
	s9 =	sld [smem:$0x3FB6]  }
0x2f: {  	lr =	sadd.s32 s0, s3;
	s0 =	sld [smem:$0x3FAD]  }
0x30: {  	s3 =	sld [smem:$0x3FB0]  }
0x31: {  	[smem:$0x3FB9] =	sst s10  }
0x32: {  	s10 =	sld [smem:$0x3FB7];
	_ =	sdelay $0x3  }
0x33: {  	p0 =	seq.s32 s10, $0x1;
	s10 =	sld [smem:$0x3FB9];
	_ =	sdelay $0x3  }
0x34: {  	[smem:$0x3FB9] =	sst s10  }
0x35: {  	s10 =	sld [smem:$0x3FB8];
	_ =	sdelay $0x3  }
0x36: {  	p1 =	seq.s32 s10, $0x1;
	s10 =	sld [smem:$0x3FB9];
	_ =	sdelay $0x3  }
0x37: {  	[smem:$0x3FB9] =	sst s10  }
0x38: {  	s10 =	sld [smem:$0x3FBA]  }
0x39: {  	_ = 	snop;
	(pc) =	sbr.ind lr, $3  }
0x3a: {  	_ = 	snop  }
0x3b: {  	_ = 	snop  }
0x3c: {  	p2 =	seq.s32 s10, $0x1;
	s10 =	sld [smem:$0x3FB9]  }
0x3d: {  	_ =	shalt  }
0x3e: {  	_ =	shalt  }
0x3f: {  	_ =	shalt  }
0x40: {  	_ =	shalt  }
0x41: {  	_ =	shalt  }
0x42: {  	_ =	shalt  }
0x43: {  	_ =	shalt  }
0x44: {  	_ =	shalt  }
0x45: {  	_ =	shalt  }
0x46: {  	_ =	shalt  }
0x47: {  	_ =	shalt  }
0x48: {  	_ =	shalt  }
0x49: {  	_ =	shalt  }
0x4a: {  	_ =	shalt  }
0x4b: {  	_ =	shalt  }
0x4c: {  	_ =	shalt  }
0x4d: {  	_ =	shalt  }
0x4e: {  	_ =	shalt  }
0x4f: {  	_ =	shalt  }
0x50: {  	_ =	shalt  }
0x51: {  	_ =	shalt  }
0x52: {  	_ =	shalt  }
0x53: {  	_ =	shalt  }
0x54: {  	_ =	shalt  }
0x55: {  	_ =	shalt  }
0x56: {  	_ =	shalt  }
0x57: {  	_ =	shalt  }
0x58: {  	_ =	shalt  }
0x59: {  	_ =	shalt  }
0x5a: {  	_ =	shalt  }
0x5b: {  	_ =	shalt  }
0x5c: {  	_ =	shalt  }
0x5d: {  	_ =	shalt  }
0x5e: {  	_ =	shalt  }
0x5f: {  	_ =	shalt  }
0x60: {  	_ =	shalt  }
0x61: {  	_ =	shalt  }
0x62: {  	_ =	shalt  }
0x63: {  	_ =	shalt  }
0x64: {  	_ =	shalt  }
0x65: {  	_ =	shalt  }
0x66: {  	_ =	shalt  }
0x67: {  	_ =	shalt  }
0x68: {  	_ =	shalt  }
0x69: {  	_ =	shalt  }
0x6a: {  	_ =	shalt  }
0x6b: {  	_ =	shalt  }
0x6c: {  	_ =	shalt  }
0x6d: {  	_ =	shalt  }
0x6e: {  	_ =	shalt  }
0x6f: {  	_ =	shalt  }
0x70: {  	_ =	shalt  }
0x71: {  	_ =	shalt  }
0x72: {  	_ =	shalt  }
0x73: {  	_ =	shalt  }
0x74: {  	_ =	shalt  }
0x75: {  	_ =	shalt  }
0x76: {  	_ =	shalt  }
0x77: {  	_ =	shalt  }
0x78: {  	_ =	shalt  }
0x79: {  	_ =	shalt  }
0x7a: {  	_ =	shalt  }
0x7b: {  	_ =	shalt  }
0x7c: {  	_ =	shalt  }
0x7d: {  	_ =	shalt  }
0x7e: {  	_ =	shalt  }
0x7f: {  	_ =	shalt  }
0x80: {  	_ =	shalt  }
0x81: {  	_ =	shalt  }
0x82: {  	_ =	shalt  }
0x83: {  	_ =	shalt  }
0x84: {  	_ =	shalt  }
0x85: {  	_ =	shalt  }
0x86: {  	_ =	shalt  }
0x87: {  	_ =	shalt  }
.Lfunc_end0:
.L_simem_size_0:
called_computation_lowered:
.L_overlay_start_0:
0x88: {  	s0 =	sld [smem:$0x3FD9]  }
0x89: {  	s1 =	sld [smem:$0x3FFE];
	_ =	sdelay $0x3  }
0x8a: {  	s0 =	sadd.s32 s1, s0  }
0x8b: {  	[smem:$0x3FC5] =	sst s0  }
0x8c: {  	_ = 	snop  }
0x8d: {  	s0 =	sld [smem:$0x3FD0];
	_ =	sdelay $0x1  }
0x8e: {  	s13 =	sld [smem:$0x3FC9]  }
0x8f: {  	s3 =	simm.s32 $0xA;
	s4 =	simm.s32 $0x10;
	s2 =	sld [smem:$0x3FC8]  }
0x90: {  	[smem:s4], [sflag:s3] =	dma.local [hbm:s0], $0x1  }
0x91: {  	_ =	swait.eq [sflag:s3], $0x1  }
0x92: {  	[sflag:s3] =	ssyncset.done $0x0  }
0x93: {  	s14 =	sld [smem:$0x10];
	[sflag:s3] =	ssyncadd.s32 $0xFFFFFFFF  }
0x94: {  	s15 =	sld [smem:$0x11];
	(tm) =	ssettm $0x1  }
0x95: {  	s16 =	sld [smem:$0x3FFB];
	_ =	sdelay $0x3  }
0x96: {  	_ =	strace s16  }
0x97: {  	s4 =	sld [smem:$0x3FFC];
	_ =	sdelay $0x3  }
0x98: {  	_ =	strace s4  }
0x99: {  	s4 =	sld [smem:$0x3FFD];
	_ =	sdelay $0x3  }
0x9a: {  	_ =	strace s4  }
0x9b: {  	_ =	strace $0x8FFFFFFF  }
0x9c: {  	s17 =	sld [smem:$0x3FDB];
	_ =	sdelay $0x1  }
0x9d: {  	s5 =	simm.s32 $_scs_section_size  }
0x9e: {  	s6 =	simm.s32 $_size__tile_overlayer_lowered;
	s7 =	simm.s32 $_tile_overlayer_lowered  }
0x9f: {  	s20 =	simm.s32 $0x1BFF;
	s19 =	sshll.u32 s7, $0x1;
	s4 =	sadd.s32 s5, s17  }
0xa0: {  	s8 =	simm.s32 $0x0;
	s18 =	sshll.u32 s6, $0x1;
	s6 =	sadd.s32 s19, s4  }
0xa1: {  	[timem:s8], [sflag:s20] =	dma.local [hbm:s6], s18  }
0xa2: {  	_ =	swait.ge [sflag:s20], s18  }
0xa3: {  	s5 =	ssub.s32 $0x0, s18;
	[sflag:s20] =	ssyncset.done $0x0  }
0xa4: {  	[sflag:s20] =	ssyncadd.s32 s5;
	_ =	sdelay $0x1  }
0xa5: {  	s21 =	simm.s32 $0x1B8B  }
0xa6: {  	_ =	swait.ge [sflag:s21], $0x1  }
0xa7: {  	[sflag:s21] =	ssyncset.done $0x0  }
0xa8: {  	s23 =	simm.s32 $0x1B8E;
	s22 =	sld [smem:$0x3FFE];
	[sflag:s21] =	ssyncadd.s32 $0xFFFFFFFF  }
0xa9: {  	s24 =	simm.s32 $execute0_lowered;
	[smem:$0x3FD2] =	sst s23  }
0xaa: {  	s6 =	sshll.u32 s24, $0x1;
	_ =	strace $0x80000046;
	[dreg:$0x1] =	wrdreg $0xFFFFFFFF  }
0xab: {  	s25 =	simm.s32 $_size_execute0_lowered;
	s4 =	sadd.s32 s4, s6;
	[dreg:$0x0] =	wrdreg $0x0  }
0xac: {  	s6 =	sshll.u32 s25, $0x1;
	[dreg:$0x2] =	wrdreg s4  }
0xad: {  	[dreg:$0x3] =	wrdreg s6  }
0xae: {  	[dreg:$0x4] =	wrdreg $0xC0  }
0xaf: {  	_ =	task [dreg:s8], $0x5FFFF  }
0xb0: {  	[dreg:$0x1] =	wrdreg $0xFFFFFFFF  }
0xb1: {  	[dreg:$0x0] =	wrdreg $0x60  }
0xb2: {  	[dreg:$0x2] =	wrdreg s13  }
0xb3: {  	[dreg:$0x3] =	wrdreg s2  }
0xb4: {  	[dreg:$0x4] =	wrdreg s22  }
0xb5: {  	[dreg:$0x5] =	wrdreg s15  }
0xb6: {  	[dreg:$0x6] =	wrdreg s14  }
0xb7: {  	[dreg:$0x7] =	wrdreg $0x9  }
0xb8: {  	_ =	task.clear_ibuf [dreg:s8], $0x8FFFF;
	_ =	strace $0x90000046  }
0xb9: {  	s26 =	simm.s32 $0x9;
	_ =	strace $0x80000048  }
0xba: {  	_ =	swait.ge [sflag:s26], $0x1  }
0xbb: {  	[sflag:s26] =	ssyncadd.s32 $0xFFFFFFFF  }
0xbc: {  	_ =	strace $0x90000048  }
0xbd: {  	_ =	sfence  }
0xbe: {  	s28 =	sld [smem:$0x0];
	_ =	sdelay $0x1  }
0xbf: {  	s29 =	srdreg.scid  }
0xc0: {  	s30 =	sshll.u32 s29, $0xD;
	s31 =	sshrl.u32 s29, $0x2  }
0xc1: {  	s1 =	sand.u32 $0x1, s29;
	s2 =	sand.u32 $0x4000, s30;
	s0 =	sadd.s32 s31, s28  }
0xc2: {  	s1 =	sor.u32 s2, s1;
	s0 =	sshll.u32 s0, $0x11  }
0xc3: {  	s0 =	sor.u32 s0, s1  }
0xc4: {  	s0 =	sadd.s32 $0x8F2B, s0  }
0xc5: {  	[sflag:s0] =	ssyncadd.remote.s32 $0x1  }
0xc6: {  	_ =	sfence.sel $0xFFFF  }
0xc7: {  	[dreg:$0x0] =	wrdreg $0xFFFFFFFF;
	(pc) =	sbr.abs _section_cstart, $3  }
0xc8: {  	[dreg:$0x1] =	wrdreg $0xFFFFFFFF  }
0xc9: {  	_ =	task.clear_ibuf [dreg:s8], $0x2FFFF;
	_ =	strace $0x9FFFFFFF  }
0xca: {  	(tm) =	ssettm $0x7FFFFFFF  }
0xcb: {  	_ =	shalt  }
tec
execute0_lowered:
.L_overlay_start_1:
0x0: {  	(tag) =	ssettag $0x1  }
0x1: {  	s5 =	rddreg [dreg:$0x0]  }
0x2: {  	s6 =	rddreg [dreg:$0x1]  }
0x3: {  	s3 =	rddreg [dreg:$0x2]  }
0x4: {  	s1 =	rddreg [dreg:$0x3]  }
0x5: {  	s4 =	stileid.u32;
	s2 =	rddreg [dreg:$0x4]  }
0x6: {  	s0 =	rddreg [dreg:$0x5];
	s10 =	simm.s32 $0x0;
	s23 =	simm.s32 $0x200  }
0x7: {  	s24 =	simm.s32 $0x400;
	s7 =	sshll.u32 s4, $0xE;
	s8 =	sshll.u32 s4, $0x9  }
0x8: {  	[smem:$0x7FF] =	sst s10;
	s9 =	sor.u32 s8, s7;
	s8 =	sand.u32 $0x200, s8  }
0x9: {  	_ =	strace $0x80000047;
	s9 =	sand.u32 $0x38200, s9;
	s7 =	sor.u32 s7, s8  }
0xa: {  	[tilespmem:s10], [sflag:$0x1] =	stream.linear.gather [hbm4b:s5+s10], $0x1000, $0x38;
	[tilespmem:$0x6280] =	vst v63  }
0xb: {  	s25 =	simm.s32 $0x1000;
	s22 =	sshrl.u32 s9, $0x3;
	s7 =	sshrl.u32 s7, $0x3  }
0xc: {  	s26 =	simm.s32 $0x3000;
	s8 =	sadd.s32 s6, s22;
	s7 =	sor.u32 $0x800, s7  }
0xd: {  	[tilespmem:s25], [sflag:$0x2] =	stream.strided.gather [hbm4b:s8+s23], $0x2000, s24, s23, $0x38;
	[tilespmem:$0x6280] =	vst v63  }
0xe: {  	s28 =	simm.s32 $0x1;
	p0 =	sne.s32 s4, $0x0;
	s6 =	sadd.s32 s6, s7  }
0xf: {  	[tilespmem:s26], [sflag:$0x3] =	stream.strided.gather [hbm4b:s6+s23], $0x2000, s24, s23, $0x38;
	[tilespmem:$0x6280] =	vst v63  }
0x10: {  	s5 =	sadd.s32 $0x800, s3;
	s7 =	simm.s32 @!p0 $0x6200;
	s6 =	simm.s32 @!p0 $0x0  }
0x11: {  	[tilespmem:s7], [sflag:$0x4] =	stream.linear.gather @!p0 [hbm4b:s5+s6], $0x80, $0x38;
	[tilespmem:$0x6280] =	vst v63  }
0x12: {  	_ =	swait.ge [sflag:s28], $0x1000  }
0x13: {  	[sflag:s28] =	ssyncset.done $0x0  }
0x14: {  	s29 =	simm.s32 $0x2;
	[sflag:s28] =	ssyncadd.s32 $0xFFFFF000  }
0x15: {  	_ =	swait.ge [sflag:s29], $0x2000  }
0x16: {  	[sflag:s29] =	ssyncset.done $0x0  }
0x17: {  	s30 =	simm.s32 $0x1100;
	[sflag:s29] =	ssyncadd.s32 $0xFFFFE000  }
0x18: {  	v7 =	vld [tilespmem:s30+$0xFFFFFFC0]  }
0x19: {  	s31 =	simm.s32 $0x40;
	v14 =	vld [tilespmem:s30+$0x60]  }
0x1a: {  	v3 =	vld [tilespmem:s31+$0x30]  }
0x1b: {  	v8 =	vld [tilespmem:s30+$0x70]  }
0x1c: {  	v0 =	vld [tilespmem:s30+$0xFFFFFFD0]  }
0x1d: {  	v13 =	vld [tilespmem:s30+$0xFFFFFFF0]  }
0x1e: {  	v10 =	vld [tilespmem:s30+$0xFFFFFF50]  }
0x1f: {  	v6 =	vld [tilespmem:s30+$0xFFFFFF70]  }
0x20: {  	v15 =	vld [tilespmem:s30+$0xFFFFFF40]  }
0x21: {  	v17 =	vld [tilespmem:s30+$0xFFFFFF20]  }
0x22: {  	v2 =	vld [tilespmem:s31+$0x10]  }
0x23: {  	v19 =	vld [tilespmem:s31+$0x0]  }
0x24: {  	v21 =	vld [tilespmem:s30+$0xFFFFFFE0]  }
0x25: {  	v22 =	vld [tilespmem:s30+$0xFFFFFF30]  }
0x26: {  	v23 =	vld [tilespmem:s30+$0x30];
	v4 =	vmul.f32 v14, v14;
	v1 =	vmul.f32 v8, v3  }
0x27: {  	v18 =	vld [tilespmem:s30+$0xFFFFFF00];
	v24 =	vmul.f32 v17, v17;
	v5 =	vmul.f32 v10, v2  }
0x28: {  	v12 =	vld [tilespmem:s31+$0xFFFFFFE0];
	v32 =	vmul.f32 v15, v19;
	v9 =	vmul.f32 v0, v2  }
0x29: {  	v26 =	vld [tilespmem:s31+$0xFFFFFFD0];
	v11 =	vmul.f32 v7, v19;
	v28 =	vmul.f32 v10, v10  }
0x2a: {  	v30 =	vld [tilespmem:s30+$0x10];
	v31 =	vmul.f32 v22, v22;
	v16 =	vmul.f32 v0, v0  }
0x2b: {  	v25 =	vld [tilespmem:s31+$0xFFFFFFC0];
	v33 =	vmul.f32 v23, v23;
	v35 =	vmul.f32 v15, v15  }
0x2c: {  	v34 =	vld [tilespmem:s30+$0x80];
	v27 =	vmul.f32 v18, v18;
	v0 =	vmul.f32 v6, v6  }
0x2d: {  	v29 =	vld [tilespmem:s30+$0xFFFFFF10];
	v36 =	vmul.f32 v12, v12;
	v46 =	vmul.f32 v7, v7  }
0x2e: {  	v37 =	vld [tilespmem:s30+$0x0];
	v38 =	vmul.f32 v17, v12;
	v40 =	vmul.f32 v19, v19  }
0x2f: {  	v42 =	vld [tilespmem:s30+$0x40];
	v17 =	vmul.f32 v30, v26;
	v10 =	vmul.f32 v13, v3  }
0x30: {  	v47 =	vld [tilespmem:s31+$0xFFFFFFF0];
	v15 =	vmul.f32 v25, v25;
	v8 =	vmul.f32 v8, v8  }
0x31: {  	v41 =	vmul.f32 v34, v25;
	v20 =	vmul.f32 v21, v21  }
0x32: {  	v39 =	vld [tilespmem:s30+$0xFFFFFF80];
	v43 =	vmul.f32 v26, v26;
	v44 =	vmul.f32 v29, v26  }
0x33: {  	v48 =	vmul.f32 v18, v25;
	v18 =	vmul.f32 v13, v13  }
0x34: {  	v50 =	vld [tilespmem:s30+$0xB0];
	v49 =	vmul.f32 v37, v25;
	v59 =	vmul.f32 v29, v29  }
0x35: {  	v61 =	vld [tilespmem:s30+$0xFFFFFF90];
	v29 =	vmul.f32 v42, v42;
	v60 =	vmul.f32 v47, v47  }
0x36: {  	v7 =	vld [tilespmem:s31+$0x20];
	v53 =	vmul.f32 v22, v47;
	v22 =	vmul.f32 v23, v47  }
0x37: {  	v45 =	vimm.f32 $0.0e+00;
	v23 =	vmul.f32 v39, v39;
	v30 =	vmul.f32 v30, v30  }
0x38: {  	v13 =	vld [tilespmem:s30+$0x90];
	v34 =	vmul.f32 v34, v34;
	v15 =	vadd.f32 v15, v45;
	v41 =	vadd.f32 v41, v45  }
0x39: {  	v54 =	vmul.f32 v50, v50;
	v27 =	vadd.f32 v27, v45;
	v56 =	vadd.f32 v23, v45  }
0x3a: {  	v51 =	vld [tilespmem:s30+$0xA0];
	v62 =	vmul.f32 v61, v61;
	v57 =	vadd.f32 v34, v45;
	v43 =	vadd.f32 v43, v15  }
0x3b: {  	v15 =	vmul.f32 v21, v7;
	v21 =	vadd.f32 v48, v45;
	v48 =	vmul.f32 v39, v25  }
0x3c: {  	v25 =	vmul.f32 v37, v37;
	v37 =	vadd.f32 v59, v27;
	v27 =	vadd.f32 v49, v45  }
0x3d: {  	v23 =	vld [tilespmem:s30+$0xD0];
	v55 =	vmul.f32 v13, v26;
	v13 =	vmul.f32 v13, v13;
	v36 =	vadd.f32 v36, v43  }
0x3e: {  	v39 =	vld [tilespmem:s30+$0xFFFFFFA0];
	v43 =	vmul.f32 v61, v26;
	v52 =	vadd.f32 v25, v45;
	v24 =	vadd.f32 v24, v37  }
0x3f: {  	v25 =	vld [tilespmem:s30+$0x20];
	v37 =	vmul.f32 v51, v12;
	v34 =	vadd.f32 v55, v41;
	v21 =	vadd.f32 v44, v21  }
0x40: {  	v63 =	vld [tilespmem:s30+$0xFFFFFFB0];
	v13 =	vadd.f32 v13, v57;
	v41 =	vmul.f32 v50, v47;
	v45 =	vadd.f32 v48, v45  }
0x41: {  	v36 =	vadd.f32 v60, v36;
	v60 =	vmul.f32 v51, v51;
	v30 =	vadd.f32 v30, v52  }
0x42: {  	v31 =	vadd.f32 v31, v24;
	v21 =	vadd.f32 v38, v21;
	v38 =	vmul.f32 v23, v2  }
0x43: {  	v24 =	vld [tilespmem:s30+$0xC0];
	v40 =	vadd.f32 v40, v36;
	v36 =	vadd.f32 v62, v56;
	v59 =	vmul.f32 v39, v39  }
0x44: {  	v61 =	vadd.f32 v60, v13;
	v21 =	vadd.f32 v53, v21;
	v58 =	vmul.f32 v25, v25  }
0x45: {  	v62 =	vmul.f32 v63, v63;
	v31 =	vadd.f32 v35, v31;
	v36 =	vadd.f32 v59, v36  }
0x46: {  	v35 =	vld [tilespmem:s30+$0x50];
	v26 =	vadd.f32 v58, v30;
	v30 =	vmul.f32 v42, v19;
	v42 =	vmul.f32 v63, v47  }
0x47: {  	s4 =	sshll.u32 s4, $0x5;
	s3 =	sadd.s32 $0xA00, s3;
	v13 =	vld [tilespmem:s30+$0xFFFFFF60];
	v63 =	vadd.f32 v62, v36;
	v36 =	vadd.f32 v32, v21;
	v47 =	vmul.f32 v2, v2  }
0x48: {  	s4 =	sadd.s32 s3, s4;
	v32 =	vld [tilespmem:s30+$0xE0];
	v44 =	vadd.f32 v33, v26;
	v33 =	vmul.f32 v24, v19;
	v26 =	vadd.f32 v54, v61  }
0x49: {  	s5 =	simm.s32 $0x0;
	s6 =	simm.s32 $0xC0;
	s7 =	simm.s32 $0x1300;
	v19 =	vadd.f32 v28, v31;
	v28 =	vmul.f32 v14, v7;
	v31 =	vld [tilespmem:s30+$0xF0];
	v46 =	vadd.f32 v46, v63;
	v14 =	vmovc v3  }
.LBB2_1:
0x4a: {  	v48 =	vmov v3  }
0x4b: {  	s5 =	sadd.s32 $0x8, s5;
	v43 =	vadd.f32 v43, v45;
	v29 =	vadd.f32 v29, v44;
	v44 =	vmul.f32 v35, v35;
	v49 =	vld [tilespmem:s7+$0xFFFFFFC0]  }
0x4c: {  	v39 =	vmul.f32 v39, v12;
	p1 =	slt.u32 s5, $0x78;
	v40 =	vadd.f32 v47, v40;
	v16 =	vadd.f32 v16, v46;
	v21 =	vld [tilespmem:s7+$0x60]  }
0x4d: {  	v34 =	vadd.f32 v37, v34;
	v5 =	vadd.f32 v5, v36;
	v36 =	vmul.f32 v6, v14;
	v3 =	vld [tilespmem:s6+$0x30]  }
0x4e: {  	v6 =	vadd.f32 v39, v43;
	v39 =	vmul.f32 v7, v7;
	v16 =	vadd.f32 v20, v16;
	v37 =	vld [tilespmem:s7+$0x70]  }
0x4f: {  	v17 =	vadd.f32 v17, v27;
	v12 =	vmul.f32 v25, v12;
	v25 =	vadd.f32 v41, v34;
	v20 =	vld [tilespmem:s7+$0xFFFFFFD0]  }
0x50: {  	v41 =	vadd.f32 v42, v6;
	v42 =	vmul.f32 v48, v14;
	v34 =	vadd.f32 v18, v16;
	v27 =	vld [tilespmem:s7+$0xFFFFFFF0]  }
0x51: {  	v12 =	vadd.f32 v12, v17;
	v17 =	vadd.f32 v33, v25;
	v18 =	vmul.f32 v32, v7;
	v16 =	vld [tilespmem:s7+$0xFFFFFF50]  }
0x52: {  	v25 =	vadd.f32 v44, v29;
	v11 =	vadd.f32 v11, v41;
	v6 =	vld [tilespmem:s7+$0xFFFFFF70]  }
0x53: {  	v12 =	vadd.f32 v22, v12;
	v7 =	vmul.f32 v13, v7;
	v17 =	vadd.f32 v38, v17;
	v29 =	vld [tilespmem:s7+$0xFFFFFFE0]  }
0x54: {  	v9 =	vadd.f32 v9, v11;
	v11 =	vadd.f32 v4, v25;
	v4 =	vmul.f32 v31, v14;
	v14 =	vmovc v3;
	v22 =	vld [tilespmem:s7+$0xFFFFFF40]  }
0x55: {  	v12 =	vadd.f32 v30, v12;
	v5 =	vadd.f32 v7, v5;
	v25 =	vmul.f32 v35, v2;
	v38 =	vld [tilespmem:s7+$0xFFFFFF30]  }
0x56: {  	v7 =	vadd.f32 v15, v9;
	v9 =	vadd.f32 v18, v17;
	v15 =	vmul.f32 v32, v32;
	v30 =	vld [tilespmem:s7+$0xFFFFFF20]  }
0x57: {  	v12 =	vadd.f32 v25, v12;
	v17 =	vmul.f32 v23, v23;
	v23 =	vadd.f32 v36, v5;
	v2 =	vld [tilespmem:s6+$0x10]  }
0x58: {  	v5 =	vmul.f32 v24, v24;
	v33 =	vadd.f32 v10, v7;
	v18 =	vadd.f32 v4, v9;
	v32 =	vld [tilespmem:s6+$0x0]  }
0x59: {  	v4 =	vmul.f32 v21, v21;
	v9 =	vadd.f32 v39, v40;
	v10 =	vadd.f32 v28, v12;
	v7 =	vld [tilespmem:s6+$0x20]  }
0x5a: {  	v25 =	vadd.f32 v8, v11;
	v8 =	vmul.f32 v31, v31;
	v12 =	vmul.f32 v37, v14;
	v24 =	vld [tilespmem:s7+$0xFFFFFF60]  }
0x5b: {  	v11 =	vadd.f32 v5, v26;
	v26 =	vmul.f32 v13, v13;
	v35 =	vadd.f32 v1, v10;
	v31 =	vld [tilespmem:s7+$0x30]  }
0x5c: {  	v41 =	vadd.f32 v42, v9;
	v1 =	vmovc v12;
	v40 =	vmul.f32 v30, v30;
	v39 =	vld [tilespmem:s7+$0xFFFFFF00];
	v5 =	vmul.f32 v16, v2  }
0x5d: {  	v10 =	vadd.f32 v17, v11;
	v9 =	vmul.f32 v20, v2;
	v12 =	vld [tilespmem:s6+$0xFFFFFFE0];
	v36 =	vmul.f32 v22, v32  }
0x5e: {  	v28 =	vmul.f32 v16, v16;
	v11 =	vmul.f32 v49, v32;
	v42 =	vld [tilespmem:s6+$0xFFFFFFD0]  }
0x5f: {  	v44 =	vmul.f32 v38, v38;
	v10 =	vadd.f32 v15, v10;
	v16 =	vmul.f32 v20, v20;
	v43 =	vld [tilespmem:s7+$0x10];
	v13 =	vmovc v24  }
0x60: {  	v46 =	vmul.f32 v22, v22;
	v15 =	vadd.f32 v26, v19;
	v24 =	vld [tilespmem:s6+$0xFFFFFFC0];
	v45 =	vmul.f32 v31, v31  }
0x61: {  	v17 =	vmul.f32 v6, v6;
	v26 =	vadd.f32 v8, v10;
	v19 =	vld [tilespmem:s7+$0x80];
	v22 =	vmul.f32 v39, v39  }
0x62: {  	v50 =	vadd.f32 v0, v15;
	v49 =	vmul.f32 v49, v49;
	v47 =	vld [tilespmem:s7+$0xFFFFFF10];
	v48 =	vmul.f32 v12, v12  }
0x63: {  	v0 =	vmov v17;
	v52 =	vmul.f32 v30, v12;
	v30 =	vmul.f32 v32, v32;
	v51 =	vld [tilespmem:s7+$0x90]  }
0x64: {  	v10 =	vmul.f32 v27, v14;
	v53 =	vld [tilespmem:s7+$0x0];
	v17 =	vmul.f32 v43, v42  }
0x65: {  	v8 =	vmul.f32 v37, v37;
	v54 =	vld [tilespmem:s7+$0xFFFFFF80];
	v15 =	vmul.f32 v24, v24  }
0x66: {  	v20 =	vmul.f32 v29, v29;
	v37 =	vmul.f32 v19, v24;
	v55 =	vld [tilespmem:s7+$0x40]  }
0x67: {  	v15 =	vadd.f32 v15, v41;
	v41 =	vmul.f32 v42, v42;
	v56 =	vmul.f32 v47, v42;
	v57 =	vld [tilespmem:s6+$0xFFFFFFF0]  }
0x68: {  	v39 =	vmul.f32 v39, v24;
	v58 =	vadd.f32 v37, v18;
	v18 =	vmul.f32 v27, v27  }
0x69: {  	v27 =	vmul.f32 v53, v24;
	v37 =	vadd.f32 v41, v15;
	v15 =	vmul.f32 v29, v7  }
0x6a: {  	v41 =	vadd.f32 v39, v23;
	v23 =	vmul.f32 v53, v53;
	v59 =	vmul.f32 v54, v24;
	v53 =	vld [tilespmem:s7+$0xB0]  }
0x6b: {  	v22 =	vadd.f32 v22, v50;
	v24 =	vmul.f32 v47, v47;
	v47 =	vld [tilespmem:s7+$0xA0];
	v29 =	vmul.f32 v55, v55  }
0x6c: {  	v23 =	vadd.f32 v23, v25;
	v48 =	vadd.f32 v48, v37;
	v25 =	vld [tilespmem:s7+$0x20];
	v50 =	vmul.f32 v57, v57  }
0x6d: {  	v24 =	vadd.f32 v24, v22;
	v60 =	vmul.f32 v38, v57;
	v22 =	vmul.f32 v31, v57  }
0x6e: {  	v27 =	vadd.f32 v27, v35;
	v31 =	vmul.f32 v54, v54;
	v38 =	vmul.f32 v43, v43;
	v35 =	vld [tilespmem:s7+$0xFFFFFF90]  }
0x6f: {  	v19 =	vmul.f32 v19, v19;
	v24 =	vadd.f32 v40, v24;
	v54 =	vmul.f32 v53, v53  }
0x70: {  	v43 =	vmul.f32 v51, v42;
	v40 =	vadd.f32 v50, v48;
	v39 =	vld [tilespmem:s7+$0xFFFFFFA0];
	v37 =	vmul.f32 v47, v12  }
0x71: {  	v19 =	vadd.f32 v19, v26;
	v31 =	vadd.f32 v31, v34;
	v26 =	vmul.f32 v25, v25  }
0x72: {  	v38 =	vadd.f32 v38, v23;
	v48 =	vmul.f32 v51, v51;
	v40 =	vadd.f32 v30, v40;
	v23 =	vld [tilespmem:s7+$0xD0]  }
0x73: {  	v34 =	vadd.f32 v43, v58;
	v51 =	vadd.f32 v44, v24;
	v30 =	vmul.f32 v35, v35;
	v50 =	vld [tilespmem:s7+$0xFFFFFFB0]  }
0x74: {  	v41 =	vadd.f32 v56, v41;
	v43 =	vmul.f32 v35, v42;
	v26 =	vadd.f32 v26, v38  }
0x75: {  	v31 =	vadd.f32 v30, v31;
	v35 =	vmul.f32 v39, v39;
	v24 =	vld [tilespmem:s7+$0xC0];
	v30 =	vmul.f32 v55, v32  }
0x76: {  	v19 =	vadd.f32 v48, v19;
	v44 =	vmul.f32 v47, v47;
	v42 =	vadd.f32 v52, v41  }
0x77: {  	v41 =	vmul.f32 v53, v57;
	v31 =	vadd.f32 v35, v31;
	v38 =	vmul.f32 v23, v2  }
.Ltmp0:
0x78: {  	v19 =	vadd.f32 v44, v19;
	v44 =	vadd.f32 v45, v26;
	v47 =	vmul.f32 v50, v50;
	v35 =	vld [tilespmem:s7+$0x50];
	(pc) =	sbr.rel @p1 .LBB2_1-.Ltmp0, $4  }
0x79: {  	v46 =	vadd.f32 v46, v51;
	v48 =	vadd.f32 v60, v42;
	v42 =	vmul.f32 v50, v57  }
0x7a: {  	v45 =	vadd.f32 v59, v33;
	v47 =	vadd.f32 v47, v31;
	v33 =	vmul.f32 v24, v32  }
0x7b: {  	v26 =	vadd.f32 v54, v19;
	v19 =	vadd.f32 v28, v46;
	v28 =	vmul.f32 v21, v7;
	v31 =	vld [tilespmem:s7+$0xF0]  }
0x7c: {  	s6 =	sadd.s32 $0x80, s6;
	v36 =	vadd.f32 v36, v48;
	v46 =	vadd.f32 v49, v47;
	v47 =	vmul.f32 v2, v2;
	v32 =	vld [tilespmem:s7+$0xE0];
	s7 =	sadd.s32 $0x200, s7  }
0x7d: {  	s5 =	simm.s32 $0x3  }
0x7e: {  	_ =	swait.ge [sflag:s5], $0x2000  }
0x7f: {  	[sflag:s5] =	ssyncset.done $0x0  }
0x80: {  	v21 =	vadd.f32 v43, v45;
	s6 =	simm.s32 $0x31F0;
	[sflag:s5] =	ssyncadd.s32 $0xFFFFE000  }
0x81: {  	v53 =	vadd.f32 v29, v44;
	v39 =	vmul.f32 v39, v12;
	v34 =	vadd.f32 v37, v34;
	v54 =	vld [tilespmem:s6+$0xFFFFFED0]  }
0x82: {  	s31 =	simm.s32 $0x870;
	v55 =	vmul.f32 v35, v35;
	v17 =	vadd.f32 v17, v27;
	v16 =	vadd.f32 v16, v46;
	v29 =	vld [tilespmem:s6+$0xFFFFFF70]  }
0x83: {  	v12 =	vmul.f32 v25, v12;
	v25 =	vmul.f32 v6, v14;
	v36 =	vadd.f32 v5, v36;
	v5 =	vld [tilespmem:s31+$0x0]  }
0x84: {  	v56 =	vmul.f32 v7, v7;
	v21 =	vadd.f32 v39, v21;
	v16 =	vadd.f32 v20, v16;
	v20 =	vld [tilespmem:s6+$0xFFFFFF80]  }
0x85: {  	v2 =	vmul.f32 v35, v2;
	v40 =	vadd.f32 v47, v40;
	v6 =	vadd.f32 v41, v34;
	v27 =	vld [tilespmem:s6+$0xFFFFFEE0]  }
0x86: {  	v23 =	vmul.f32 v23, v23;
	v12 =	vadd.f32 v12, v17;
	v21 =	vadd.f32 v42, v21;
	v58 =	vld [tilespmem:s6+$0xFFFFFE50]  }
0x87: {  	v35 =	vld [tilespmem:s6+$0xFFFFFE40];
	v16 =	vadd.f32 v18, v16;
	v18 =	vmul.f32 v3, v14;
	v3 =	vadd.f32 v33, v6  }
0x88: {  	v59 =	vmul.f32 v13, v13;
	v37 =	vadd.f32 v55, v53;
	v17 =	vld [tilespmem:s6+$0xFFFFFF00];
	v11 =	vadd.f32 v11, v21  }
0x89: {  	v57 =	vmul.f32 v32, v7;
	v12 =	vadd.f32 v22, v12;
	v39 =	vld [tilespmem:s6+$0xFFFFFF40];
	v22 =	vadd.f32 v38, v3  }
0x8a: {  	v33 =	vld [tilespmem:s31+$0xFFFFFFD0];
	v3 =	vmul.f32 v13, v7;
	v7 =	vadd.f32 v9, v11;
	v11 =	vadd.f32 v4, v37  }
0x8b: {  	v61 =	vld [tilespmem:s6+$0xFFFFFE10];
	v4 =	vadd.f32 v30, v12;
	v9 =	vmul.f32 v31, v14;
	v31 =	vmul.f32 v31, v31  }
0x8c: {  	v21 =	vld [tilespmem:s6+$0xFFFFFE60];
	v14 =	vadd.f32 v3, v36;
	v42 =	vmul.f32 v35, v35;
	v38 =	vmul.f32 v58, v58  }
0x8d: {  	v12 =	vld [tilespmem:s6+$0xFFFFFE30];
	v50 =	vmul.f32 v54, v54;
	v7 =	vadd.f32 v15, v7;
	v15 =	vadd.f32 v57, v22  }
0x8e: {  	v3 =	vld [tilespmem:s31+$0xFFFFFFE0];
	v22 =	vmul.f32 v32, v32;
	v30 =	vadd.f32 v2, v4;
	v4 =	vmul.f32 v29, v29  }
0x8f: {  	v6 =	vld [tilespmem:s6+$0xFFFFFE80];
	v2 =	vmul.f32 v20, v5;
	v46 =	vmul.f32 v58, v33;
	v25 =	vadd.f32 v25, v14  }
0x90: {  	v32 =	vld [tilespmem:s6+$0xFFFFFFC0];
	v14 =	vmul.f32 v24, v24;
	v36 =	vadd.f32 v10, v7;
	v60 =	vadd.f32 v9, v15  }
0x91: {  	v24 =	vld [tilespmem:s6+$0xFFFFFEF0];
	v47 =	vmul.f32 v21, v21;
	v15 =	vadd.f32 v56, v40;
	v7 =	vadd.f32 v28, v30  }
0x92: {  	v10 =	vld [tilespmem:s31+$0xFFFFFFB0];
	v28 =	vadd.f32 v8, v11;
	v11 =	vmul.f32 v54, v33;
	v40 =	vmul.f32 v12, v12  }
0x93: {  	v41 =	vld [tilespmem:s6+$0xFFFFFF20];
	v8 =	vadd.f32 v14, v26;
	v14 =	vmul.f32 v27, v27;
	v13 =	vmul.f32 v21, v3  }
0x94: {  	v30 =	vld [tilespmem:s31+$0xFFFFFFA0];
	v9 =	vmul.f32 v27, v3;
	v26 =	vadd.f32 v1, v7;
	v27 =	vmul.f32 v39, v39  }
0x95: {  	v48 =	vld [tilespmem:s6+$0xFFFFFE20];
	v7 =	vmul.f32 v6, v6;
	v62 =	vadd.f32 v18, v15;
	v18 =	vadd.f32 v59, v19  }
0x96: {  	v1 =	vadd.f32 v23, v8;
	v23 =	vmul.f32 v61, v61;
	v57 =	vmul.f32 v32, v32  }
0x97: {  	v21 =	vld [tilespmem:s31+$0xFFFFFF90];
	v0 =	vadd.f32 v0, v18;
	v18 =	vmul.f32 v24, v24;
	v49 =	vmul.f32 v10, v10  }
0x98: {  	v43 =	vld [tilespmem:s6+$0xFFFFFF90];
	v8 =	vadd.f32 v22, v1;
	v44 =	vmul.f32 v12, v10;
	v22 =	vmul.f32 v33, v33  }
0x99: {  	v63 =	vld [tilespmem:s6+$0xFFFFFF10];
	v15 =	vmul.f32 v41, v30;
	v12 =	vmul.f32 v17, v5  }
0x9a: {  	v55 =	vld [tilespmem:s31+$0xFFFFFFC0];
	v53 =	vmul.f32 v30, v30;
	v54 =	vmul.f32 v48, v30  }
0x9b: {  	v48 =	vmul.f32 v48, v48;
	v41 =	vmul.f32 v41, v41  }
0x9c: {  	v1 =	vld [tilespmem:s31+$0xFFFFFFF0];
	v51 =	vadd.f32 v31, v8;
	v19 =	vmul.f32 v21, v21;
	v8 =	vmul.f32 v20, v20  }
0x9d: {  	v52 =	vld [tilespmem:s6+$0xFFFFFF50];
	v0 =	vadd.f32 v23, v0;
	v20 =	vmul.f32 v43, v21;
	v34 =	vmul.f32 v61, v21  }
0x9e: {  	v23 =	vld [tilespmem:s6+$0xFFFFFF30];
	v56 =	vmul.f32 v63, v21;
	v43 =	vmul.f32 v43, v43  }
0x9f: {  	v31 =	vld [tilespmem:s6+$0xFFFFFE90];
	v0 =	vadd.f32 v48, v0;
	v48 =	vmul.f32 v35, v55;
	v45 =	vadd.f32 v19, v62  }
0xa0: {  	v37 =	vld [tilespmem:s6+$0xFFFFFFA0];
	v20 =	vadd.f32 v20, v60;
	v19 =	vmul.f32 v17, v17;
	v25 =	vadd.f32 v34, v25  }
0xa1: {  	v60 =	vmul.f32 v55, v55;
	v26 =	vadd.f32 v56, v26;
	v17 =	vmul.f32 v24, v1  }
0xa2: {  	v24 =	vmul.f32 v52, v52;
	v0 =	vadd.f32 v40, v0;
	v40 =	vmul.f32 v32, v55  }
0xa3: {  	v62 =	vld [tilespmem:s6+$0xFFFFFEA0];
	v58 =	vadd.f32 v43, v51;
	v29 =	vmul.f32 v29, v1;
	v59 =	vmul.f32 v23, v23  }
0xa4: {  	v45 =	vadd.f32 v53, v45;
	v34 =	vmul.f32 v31, v21;
	v21 =	vmul.f32 v63, v63  }
0xa5: {  	v53 =	vld [tilespmem:s6+$0xFFFFFFB0];
	v61 =	vmul.f32 v31, v31;
	v63 =	vmul.f32 v37, v30;
	v0 =	vadd.f32 v42, v0  }
0xa6: {  	v45 =	vadd.f32 v49, v45;
	v28 =	vadd.f32 v21, v28;
	v21 =	vmul.f32 v39, v55;
	v39 =	vld [tilespmem:s6+$0xFFFFFEB0]  }
0xa7: {  	v37 =	vmul.f32 v37, v37;
	v16 =	vadd.f32 v61, v16;
	v35 =	vadd.f32 v63, v20  }
0xa8: {  	v20 =	vmul.f32 v62, v62;
	v61 =	vadd.f32 v54, v25;
	v45 =	vadd.f32 v60, v45;
	v60 =	vld [tilespmem:s6+$0xFFFFFEC0]  }
0xa9: {  	v43 =	vmul.f32 v62, v30;
	v30 =	vmul.f32 v52, v33;
	v37 =	vadd.f32 v37, v58  }
0xaa: {  	v25 =	vld [tilespmem:s6+$0xFFFFFFD0];
	v0 =	vadd.f32 v38, v0;
	v31 =	vmul.f32 v53, v10;
	v28 =	vadd.f32 v41, v28  }
0xab: {  	v16 =	vadd.f32 v20, v16;
	v44 =	vadd.f32 v44, v61;
	v20 =	vmul.f32 v39, v39  }
0xac: {  	v62 =	vmul.f32 v53, v53;
	v41 =	vadd.f32 v22, v45;
	v22 =	vld [tilespmem:s6+$0xFFFFFFE0];
	v45 =	vadd.f32 v34, v36  }
0xad: {  	v36 =	vadd.f32 v47, v0;
	v63 =	vmul.f32 v60, v60;
	v20 =	vadd.f32 v20, v16  }
0xae: {  	v47 =	vmul.f32 v3, v3;
	v28 =	vadd.f32 v59, v28;
	v49 =	vadd.f32 v62, v37;
	v37 =	vld [tilespmem:s6+$0xFFFFFF60]  }
0xaf: {  	v48 =	vadd.f32 v48, v44;
	v34 =	vmul.f32 v25, v33;
	v33 =	vld [tilespmem:s6+$0xFFFFFFF0];
	v20 =	vadd.f32 v63, v20  }
0xb0: {  	v42 =	vadd.f32 v27, v28;
	v44 =	vmul.f32 v60, v55;
	v28 =	vadd.f32 v57, v49;
	v27 =	vld [tilespmem:s6+$0x0]  }
0xb1: {  	s7 =	simm.s32 $0x33F0;
	s5 =	simm.s32 $0x80;
	v0 =	vmovc v5;
	v46 =	vadd.f32 v46, v48;
	v16 =	vld [tilespmem:s6+$0xFFFFFE70];
	s6 =	simm.s32 $0x8F0;
	v32 =	vmul.f32 v22, v3;
	v38 =	vadd.f32 v50, v20  }
.LBB2_3:
0xb2: {  	v48 =	vmov v5  }
0xb3: {  	s5 =	sadd.s32 $0x8, s5;
	v43 =	vadd.f32 v43, v45;
	v24 =	vadd.f32 v24, v42;
	v42 =	vmul.f32 v37, v37;
	v49 =	vld [tilespmem:s7+$0xFFFFFED0]  }
0xb4: {  	v39 =	vmul.f32 v39, v10;
	p1 =	slt.u32 s5, $0xF8;
	v41 =	vadd.f32 v47, v41;
	v14 =	vadd.f32 v14, v38;
	v20 =	vld [tilespmem:s7+$0xFFFFFF70]  }
0xb5: {  	v31 =	vadd.f32 v31, v35;
	v13 =	vadd.f32 v13, v46;
	v38 =	vmul.f32 v6, v0;
	v5 =	vld [tilespmem:s6+$0x0]  }
0xb6: {  	v6 =	vadd.f32 v39, v43;
	v39 =	vmul.f32 v1, v1;
	v14 =	vadd.f32 v18, v14;
	v45 =	vld [tilespmem:s7+$0xFFFFFF80]  }
0xb7: {  	v15 =	vadd.f32 v15, v26;
	v10 =	vmul.f32 v23, v10;
	v23 =	vadd.f32 v40, v31;
	v18 =	vld [tilespmem:s7+$0xFFFFFEE0]  }
0xb8: {  	v40 =	vmul.f32 v48, v0;
	v31 =	vadd.f32 v44, v6;
	v35 =	vadd.f32 v19, v14;
	v26 =	vld [tilespmem:s7+$0xFFFFFF00]  }
0xb9: {  	v10 =	vadd.f32 v10, v15;
	v15 =	vadd.f32 v34, v23;
	v19 =	vmul.f32 v33, v1;
	v14 =	vld [tilespmem:s7+$0xFFFFFE60]  }
0xba: {  	v23 =	vadd.f32 v42, v24;
	v11 =	vadd.f32 v11, v31;
	v6 =	vld [tilespmem:s7+$0xFFFFFE80]  }
0xbb: {  	v10 =	vadd.f32 v21, v10;
	v1 =	vmul.f32 v16, v1;
	v15 =	vadd.f32 v32, v15;
	v24 =	vld [tilespmem:s7+$0xFFFFFEF0]  }
0xbc: {  	v9 =	vadd.f32 v9, v11;
	v11 =	vadd.f32 v4, v23;
	v4 =	vmul.f32 v27, v0;
	v0 =	vmovc v5;
	v21 =	vld [tilespmem:s7+$0xFFFFFE50]  }
0xbd: {  	v10 =	vadd.f32 v30, v10;
	v1 =	vadd.f32 v1, v13;
	v23 =	vmul.f32 v37, v3;
	v31 =	vld [tilespmem:s7+$0xFFFFFE40]  }
0xbe: {  	v13 =	vadd.f32 v19, v15;
	v15 =	vmul.f32 v33, v33;
	v9 =	vadd.f32 v17, v9;
	v30 =	vld [tilespmem:s7+$0xFFFFFE30]  }
0xbf: {  	v10 =	vadd.f32 v23, v10;
	v17 =	vmul.f32 v22, v22;
	v22 =	vadd.f32 v38, v1;
	v3 =	vld [tilespmem:s6+$0xFFFFFFE0]  }
0xc0: {  	v19 =	vmul.f32 v25, v25;
	v23 =	vadd.f32 v4, v13;
	v34 =	vadd.f32 v12, v9;
	v33 =	vld [tilespmem:s6+$0xFFFFFFD0]  }
0xc1: {  	v4 =	vmul.f32 v20, v20;
	v9 =	vadd.f32 v39, v41;
	v10 =	vadd.f32 v29, v10;
	v1 =	vld [tilespmem:s6+$0xFFFFFFF0]  }
0xc2: {  	v25 =	vmul.f32 v45, v0;
	v29 =	vadd.f32 v8, v11;
	v8 =	vmul.f32 v27, v27;
	v12 =	vld [tilespmem:s7+$0xFFFFFE70]  }
0xc3: {  	v11 =	vadd.f32 v19, v28;
	v19 =	vmul.f32 v16, v16;
	v28 =	vadd.f32 v2, v10;
	v32 =	vld [tilespmem:s7+$0xFFFFFF40]  }
0xc4: {  	v40 =	vadd.f32 v40, v9;
	v2 =	vmovc v25;
	v39 =	vmul.f32 v30, v30;
	v37 =	vld [tilespmem:s7+$0xFFFFFE10];
	v13 =	vmul.f32 v14, v3  }
0xc5: {  	v17 =	vadd.f32 v17, v11;
	v9 =	vmul.f32 v18, v3;
	v10 =	vld [tilespmem:s6+$0xFFFFFFB0];
	v38 =	vmul.f32 v21, v33  }
0xc6: {  	v27 =	vmul.f32 v14, v14;
	v11 =	vmul.f32 v49, v33;
	v25 =	vld [tilespmem:s6+$0xFFFFFFA0]  }
0xc7: {  	v42 =	vmul.f32 v31, v31;
	v15 =	vadd.f32 v15, v17;
	v14 =	vmul.f32 v18, v18;
	v41 =	vld [tilespmem:s7+$0xFFFFFF20];
	v16 =	vmovc v12  }
0xc8: {  	v46 =	vmul.f32 v21, v21;
	v12 =	vadd.f32 v19, v36;
	v43 =	vld [tilespmem:s6+$0xFFFFFF90];
	v44 =	vmul.f32 v32, v32  }
0xc9: {  	v17 =	vmul.f32 v6, v6;
	v47 =	vadd.f32 v8, v15;
	v36 =	vld [tilespmem:s7+$0xFFFFFF90];
	v21 =	vmul.f32 v37, v37  }
0xca: {  	v49 =	vmul.f32 v49, v49;
	v51 =	vadd.f32 v7, v12;
	v48 =	vld [tilespmem:s7+$0xFFFFFE20];
	v50 =	vmul.f32 v10, v10  }
0xcb: {  	v7 =	vmov v17;
	v53 =	vmul.f32 v30, v10;
	v30 =	vmul.f32 v33, v33;
	v52 =	vld [tilespmem:s7+$0xFFFFFFA0]  }
0xcc: {  	v12 =	vmul.f32 v26, v0;
	v54 =	vld [tilespmem:s7+$0xFFFFFF10];
	v15 =	vmul.f32 v41, v25  }
0xcd: {  	v8 =	vmul.f32 v45, v45;
	v55 =	vld [tilespmem:s7+$0xFFFFFE90];
	v17 =	vmul.f32 v43, v43  }
0xce: {  	v18 =	vmul.f32 v24, v24;
	v19 =	vmul.f32 v36, v43;
	v45 =	vld [tilespmem:s7+$0xFFFFFF50]  }
0xcf: {  	v17 =	vadd.f32 v17, v40;
	v40 =	vmul.f32 v25, v25;
	v56 =	vmul.f32 v48, v25;
	v57 =	vld [tilespmem:s6+$0xFFFFFFC0]  }
0xd0: {  	v37 =	vmul.f32 v37, v43;
	v58 =	vadd.f32 v19, v23;
	v19 =	vmul.f32 v26, v26  }
0xd1: {  	v26 =	vmul.f32 v54, v43;
	v40 =	vadd.f32 v40, v17;
	v17 =	vmul.f32 v24, v1  }
0xd2: {  	v37 =	vadd.f32 v37, v22;
	v22 =	vmul.f32 v54, v54;
	v59 =	vmul.f32 v55, v43;
	v54 =	vld [tilespmem:s7+$0xFFFFFFC0]  }
0xd3: {  	v21 =	vadd.f32 v21, v51;
	v43 =	vmul.f32 v48, v48;
	v48 =	vld [tilespmem:s7+$0xFFFFFFB0];
	v24 =	vmul.f32 v45, v45  }
0xd4: {  	v22 =	vadd.f32 v22, v29;
	v29 =	vadd.f32 v50, v40;
	v23 =	vld [tilespmem:s7+$0xFFFFFF30];
	v40 =	vmul.f32 v57, v57  }
0xd5: {  	v43 =	vadd.f32 v43, v21;
	v50 =	vmul.f32 v31, v57;
	v21 =	vmul.f32 v32, v57  }
0xd6: {  	v41 =	vmul.f32 v41, v41;
	v26 =	vadd.f32 v26, v28;
	v28 =	vmul.f32 v55, v55;
	v32 =	vld [tilespmem:s7+$0xFFFFFEA0]  }
0xd7: {  	v36 =	vmul.f32 v36, v36;
	v43 =	vadd.f32 v39, v43;
	v51 =	vmul.f32 v54, v54  }
0xd8: {  	v55 =	vmul.f32 v52, v25;
	v29 =	vadd.f32 v40, v29;
	v39 =	vld [tilespmem:s7+$0xFFFFFEB0];
	v31 =	vmul.f32 v48, v10  }
0xd9: {  	v36 =	vadd.f32 v36, v47;
	v28 =	vadd.f32 v28, v35;
	v40 =	vmul.f32 v23, v23  }
0xda: {  	v52 =	vmul.f32 v52, v52;
	v47 =	vadd.f32 v41, v22;
	v41 =	vadd.f32 v30, v29;
	v22 =	vld [tilespmem:s7+$0xFFFFFFE0]  }
0xdb: {  	v35 =	vadd.f32 v55, v58;
	v58 =	vadd.f32 v42, v43;
	v29 =	vmul.f32 v32, v32;
	v55 =	vld [tilespmem:s7+$0xFFFFFEC0]  }
0xdc: {  	v37 =	vadd.f32 v56, v37;
	v43 =	vmul.f32 v32, v25;
	v42 =	vadd.f32 v40, v47  }
0xdd: {  	v30 =	vmul.f32 v45, v33;
	v28 =	vadd.f32 v29, v28;
	v29 =	vmul.f32 v39, v39;
	v25 =	vld [tilespmem:s7+$0xFFFFFFD0]  }
0xde: {  	v36 =	vadd.f32 v52, v36;
	v45 =	vadd.f32 v53, v37;
	v37 =	vmul.f32 v48, v48  }
0xdf: {  	v40 =	vmul.f32 v54, v57;
	v28 =	vadd.f32 v29, v28;
	v32 =	vmul.f32 v22, v3  }
.Ltmp1:
0xe0: {  	v42 =	vadd.f32 v44, v42;
	v29 =	vadd.f32 v37, v36;
	v36 =	vmul.f32 v55, v55;
	v37 =	vld [tilespmem:s7+$0xFFFFFF60];
	(pc) =	sbr.rel @p1 .LBB2_3-.Ltmp1, $4  }
0xe1: {  	v46 =	vadd.f32 v46, v58;
	v47 =	vadd.f32 v50, v45;
	v44 =	vmul.f32 v55, v57  }
0xe2: {  	v45 =	vadd.f32 v59, v34;
	v48 =	vadd.f32 v36, v28;
	v34 =	vmul.f32 v25, v33  }
0xe3: {  	v28 =	vadd.f32 v51, v29;
	v36 =	vadd.f32 v27, v46;
	v29 =	vmul.f32 v20, v1;
	v27 =	vld [tilespmem:s7+$0x0]  }
0xe4: {  	s6 =	sadd.s32 $0x80, s6;
	v46 =	vadd.f32 v38, v47;
	v47 =	vmul.f32 v3, v3;
	v38 =	vadd.f32 v49, v48;
	v33 =	vld [tilespmem:s7+$0xFFFFFFF0];
	s7 =	sadd.s32 $0x200, s7  }
0xe5: {  	_ = 	snop  }
0xe6: {  	v59 =	vmul.f32 v1, v1;
	v20 =	vadd.f32 v47, v41;
	_ =	sdelay $0x1  }
0xe7: {  	v5 =	vmul.f32 v5, v0;
	v20 =	vadd.f32 v59, v20;
	_ =	sdelay $0x1  }
0xe8: {  	v5 =	vadd.f32 v5, v20;
	_ =	sdelay $0x1  }
0xe9: {  	(xrf2) =	vadd.scan.msk.f32 $0xffff, v5;
	_ =	sdelay $0x1  }
0xea: {  	v60 =	vadd.f32 v43, v45;
	v61 =	vmul.f32 v39, v10;
	_ =	sdelay $0x1  }
0xeb: {  	v62 =	vmul.f32 v16, v1;
	v13 =	vadd.f32 v13, v46;
	v5 =	vadd.f32 v61, v60  }
0xec: {  	v63 =	vmul.f32 v16, v16  }
0xed: {  	v6 =	vmul.f32 v6, v0;
	v13 =	vadd.f32 v62, v13;
	v5 =	vadd.f32 v44, v5  }
0xee: {  	v16 =	vadd.f32 v63, v36  }
0xef: {  	v6 =	vadd.f32 v6, v13;
	v5 =	vadd.f32 v11, v5  }
0xf0: {  	v7 =	vadd.f32 v7, v16  }
0xf1: {  	v5 =	vadd.f32 v9, v5;
	v13, _, _ =	vpop (xrf2);
	(xrf2) =	vadd.scan.msk.f32 $0xffff, v6  }
0xf2: {  	v16 =	vadd.f32 v14, v38;
	(v2sf) =	vpush v13, $0xF;
	(xrf2) =	vadd.scan.msk.f32 $0xffff, v7  }
0xf3: {  	v5 =	vadd.f32 v17, v5  }
0xf4: {  	v6 =	vadd.f32 v18, v16  }
0xf5: {  	v5 =	vadd.f32 v12, v5  }
0xf6: {  	v6 =	vadd.f32 v19, v6  }
0xf7: {  	(xrf2) =	vadd.scan.msk.f32 $0xffff, v5  }
0xf8: {  	(xrf2) =	vadd.scan.msk.f32 $0xffff, v6;
	_ =	sdelay $0x2  }
0xf9: {  	v36 =	vadd.f32 v15, v26;
	v38 =	vmul.f32 v23, v10;
	v19, _, _ =	vpop (xrf2)  }
0xfa: {  	(v2sf) =	vpush v19, $0xF;
	v20, _, _ =	vpop (xrf2)  }
0xfb: {  	v39 =	vadd.f32 v38, v36;
	(v2sf) =	vpush v20, $0xF  }
0xfc: {  	v41 =	vadd.f32 v31, v35  }
0xfd: {  	v5 =	vadd.f32 v21, v39  }
0xfe: {  	v43 =	vadd.f32 v24, v42;
	v6 =	vadd.f32 v40, v41  }
0xff: {  	v3 =	vmul.f32 v37, v3;
	v46 =	vmul.f32 v37, v37;
	v5 =	vadd.f32 v30, v5;
	v44, _, _ =	vpop (xrf2);
	s5 =	spop (v2sf)  }
0x100: {  	v47 =	vmul.f32 v25, v25;
	v6 =	vadd.f32 v34, v6;
	v45, _, _ =	vpop (xrf2);
	(v2sf) =	vpush v44, $0xF;
	s5 =	smax.f32 s5, $1.000000020e-24  }
0x101: {  	v3 =	vadd.f32 v3, v5;
	(v2sf) =	vpush v45, $0xF;
	s6 =	sshrl.u32 s5, $0x1;
	s7 =	smul.f32 $5.000000000e-01, s5  }
0x102: {  	v49 =	vmul.f32 v22, v22;
	v48 =	vadd.f32 v46, v43;
	v50 =	vadd.f32 v47, v28;
	s29 =	ssub.s32 $0x5F3759DF, s6  }
0x103: {  	v51 =	vmul.f32 v33, v1;
	v6 =	vadd.f32 v32, v6;
	v3 =	vadd.f32 v29, v3;
	s6 =	smul.f32 s29, s7  }
0x104: {  	v52 =	vmul.f32 v33, v33;
	v4 =	vadd.f32 v4, v48;
	v7 =	vadd.f32 v49, v50  }
0x105: {  	v53 =	vmul.f32 v27, v0;
	v1 =	vadd.f32 v51, v6;
	v2 =	vadd.f32 v2, v3;
	s6 =	smul.f32 s29, s6  }
0x106: {  	v55 =	vmul.f32 v27, v27;
	v54 =	vadd.f32 v8, v4;
	v5 =	vadd.f32 v52, v7  }
0x107: {  	v0 =	vadd.f32 v53, v1;
	(xrf2) =	vadd.scan.msk.f32 $0xffff, v2;
	s6 =	ssub.f32 $1.500000000e+00, s6  }
0x108: {  	v56 =	vadd.f32 v55, v5;
	(xrf2) =	vadd.scan.msk.f32 $0xffff, v54  }
0x109: {  	(xrf2) =	vadd.scan.msk.f32 $0xffff, v0;
	s5 =	smul.f32 s29, s6;
	s30 =	spop (v2sf)  }
0x10a: {  	(xrf2) =	vadd.scan.msk.f32 $0xffff, v56;
	s9 =	spop (v2sf)  }
0x10b: {  	s8 =	smul.f32 s5, s7;
	s9 =	smax.f32 s9, $1.000000020e-24  }
0x10c: {  	s10 =	sshrl.u32 s9, $0x1;
	s9 =	smul.f32 $5.000000000e-01, s9  }
0x10d: {  	s8 =	smul.f32 s8, s5;
	s10 =	ssub.s32 $0x5F3759DF, s10  }
0x10e: {  	s11 =	smul.f32 s10, s9  }
0x10f: {  	s31 =	spop (v2sf);
	s8 =	ssub.f32 $1.500000000e+00, s8  }
0x110: {  	s12 =	spop (v2sf);
	s11 =	smul.f32 s10, s11  }
0x111: {  	v57, _, _ =	vpop (xrf2);
	s12 =	smax.f32 s12, $1.000000020e-24;
	s8 =	smul.f32 s8, s5  }
0x112: {  	v58, _, _ =	vpop (xrf2);
	(v2sf) =	vpush v57, $0xF;
	s13 =	sshrl.u32 s12, $0x1;
	s12 =	smul.f32 $5.000000000e-01, s12  }
0x113: {  	v59, _, _ =	vpop (xrf2);
	(v2sf) =	vpush v58, $0xF;
	s11 =	ssub.f32 $1.500000000e+00, s11;
	s17 =	ssub.s32 $0x5F3759DF, s13;
	s7 =	smul.f32 s8, s7  }
0x114: {  	v60, _, _ =	vpop (xrf2);
	(v2sf) =	vpush v59, $0xF;
	s13 =	smul.f32 s17, s12  }
0x115: {  	(v2sf) =	vpush v60, $0xF;
	s10 =	smul.f32 s10, s11  }
0x116: {  	s13 =	smul.f32 s17, s13  }
0x117: {  	s7 =	smul.f32 s7, s8  }
0x118: {  	s14 =	smul.f32 s10, s9  }
0x119: {  	s13 =	ssub.f32 $1.500000000e+00, s13  }
0x11a: {  	s7 =	ssub.f32 $1.500000000e+00, s7;
	s14 =	smul.f32 s14, s10  }
0x11b: {  	s11 =	smul.f32 s17, s13  }
0x11c: {  	s7 =	smul.f32 s7, s8  }
0x11d: {  	s13 =	smul.f32 s11, s12  }
0x11e: {  	s14 =	ssub.f32 $1.500000000e+00, s14;
	s6 =	smul.f32 s7, s30  }
0x11f: {  	s5 =	smul.f32 s7, s31  }
0x120: {  	s10 =	smul.f32 s14, s10  }
0x121: {  	s13 =	smul.f32 s13, s11;
	s19 =	spop (v2sf)  }
0x122: {  	s9 =	smul.f32 s10, s9;
	s20 =	spop (v2sf)  }
0x123: {  	s13 =	ssub.f32 $1.500000000e+00, s13;
	s21 =	spop (v2sf)  }
0x124: {  	s9 =	smul.f32 s9, s10;
	s22 =	spop (v2sf)  }
0x125: {  	s11 =	smul.f32 s13, s11;
	s13 =	smax.f32 s20, $1.000000020e-24  }
0x126: {  	s14 =	smax.f32 s22, $1.000000020e-24;
	s15 =	sshrl.u32 s13, $0x1;
	s13 =	smul.f32 $5.000000000e-01, s13  }
0x127: {  	s18 =	ssub.f32 $1.500000000e+00, s9;
	s16 =	sshrl.u32 s14, $0x1;
	s14 =	smul.f32 $5.000000000e-01, s14  }
0x128: {  	s12 =	smul.f32 s11, s12  }
0x129: {  	s15 =	ssub.s32 $0x5F3759DF, s15;
	s8 =	smul.f32 s18, s10  }
0x12a: {  	s16 =	ssub.s32 $0x5F3759DF, s16;
	s17 =	smul.f32 s15, s13  }
0x12b: {  	s18 =	smul.f32 s16, s14  }
0x12c: {  	s17 =	smul.f32 s15, s17  }
0x12d: {  	s18 =	smul.f32 s16, s18  }
0x12e: {  	s9 =	smul.f32 s7, s19;
	s17 =	ssub.f32 $1.500000000e+00, s17  }
0x12f: {  	s12 =	smul.f32 s12, s11;
	s18 =	ssub.f32 $1.500000000e+00, s18  }
0x130: {  	s15 =	smul.f32 s15, s17  }
0x131: {  	s16 =	smul.f32 s16, s18  }
0x132: {  	s17 =	smul.f32 s15, s13  }
0x133: {  	s18 =	smul.f32 s16, s14  }
0x134: {  	s17 =	smul.f32 s17, s15  }
0x135: {  	s12 =	ssub.f32 $1.500000000e+00, s12;
	s18 =	smul.f32 s18, s16  }
0x136: {  	s6 =	smul.f32 s8, s6;
	s23 =	ssub.f32 $1.500000000e+00, s17  }
0x137: {  	s11 =	smul.f32 s12, s11;
	s24 =	ssub.f32 $1.500000000e+00, s18  }
0x138: {  	s8 =	smul.f32 s23, s15  }
0x139: {  	s12 =	smul.f32 s24, s16  }
0x13a: {  	s13 =	smul.f32 s8, s13  }
0x13b: {  	s14 =	smul.f32 s12, s14  }
0x13c: {  	s13 =	smul.f32 s13, s8  }
0x13d: {  	s26 =	smul.f32 s14, s12  }
0x13e: {  	s7 =	smul.f32 s7, s21;
	s25 =	ssub.f32 $1.500000000e+00, s13  }
0x13f: {  	s5 =	smul.f32 s11, s5;
	s28 =	ssub.f32 $1.500000000e+00, s26  }
0x140: {  	s8 =	smul.f32 s25, s8  }
0x141: {  	vm0 =	vcmask $0x300;
	v61 =	vmov s6;
	s29 =	smul.f32 s28, s12  }
0x142: {  	vm13 =	vcmask $0x704;
	v0 =	vnsel vm0, $0xF149F2CA, v61;
	s30 =	smul.f32 s8, s9  }
0x143: {  	vm14 =	vcmask $0xB08;
	v0 =	vsel vm13, s5, v0;
	s7 =	smul.f32 s29, s7  }
0x144: {  	vm15 =	vcmask $0xF0C;
	v0 =	vsel vm14, s30, v0  }
0x145: {  	v0 =	vsel vm15, s7, v0  }
0x146: {  	v62 =	vmul.f32 $1.442695020e+00, v0;
	_ =	sdelay $0x1  }
0x147: {  	(erf) = vpow2.f32 v62;
	_ =	sdelay $0x8  }
0x148: {  	[tilespmem:$0x5000] =	vst v0;
	v63 =	vpop (erf)  }
0x149: {  	s31 =	simm.s32 $0x5000;
	s5 =	simm.s32 $0x0;
	[tilespmem:$0x5080] =	vst v63  }
0x14a: {  	[hbm4b:s4+s5] =	stream.linear.scatter [tilespmem:s31], [sflag:$0x7], $0x100, $0x38;
	[tilespmem:$0x6280] =	vst v63  }
0x14b: {  	s4 =	simm.s32 $0x7  }
0x14c: {  	_ =	swait.ge [sflag:s4], $0x100  }
0x14d: {  	[sflag:s4] =	ssyncset.done $0x0  }
0x14e: {  	[sflag:s4] =	ssyncadd.s32 $0xFFFFFF00  }
0x14f: {  	[bflag:$0x0] =	sbarrier.arrive $0xFFFF  }
0x150: {  	_ =	sfence.sel @p0 $0x180000  }
0x151: {  	[bflag:$0x0] =	sbarrier.arrive @p0 $0xFFFF  }
0x152: {  	_ =	strace @p0 $0x90000047  }
0x153: {  	[bflag:$0x2] =	sbarrier.arrive @p0 $0xFFFF  }
0x154: {  	_ =	shalt @p0  }
.LBB2_5:
0x155: {  	s6 =	simm.s32 $0x5100  }
0x156: {  	[tilespmem:s6], [sflag:$0x7] =	stream.linear.gather [hbm4b:s3+s5], $0x1000, $0x38;
	[tilespmem:$0x6280] =	vst v63  }
0x157: {  	_ =	swait.ge [sflag:s4], $0x1000  }
0x158: {  	[sflag:s4] =	ssyncset.done $0x0  }
0x159: {  	s25 =	simm.s32 $0x4;
	[sflag:s4] =	ssyncadd.s32 $0xFFFFF000  }
0x15a: {  	_ =	swait.ge [sflag:s25], $0x80  }
0x15b: {  	[sflag:s25] =	ssyncset.done $0x0  }
0x15c: {  	[sflag:s25] =	ssyncadd.s32 $0xFFFFFF80  }
0x15d: {  	v1 =	vld [tilespmem:$0x5180]  }
0x15e: {  	v0 =	vlaneseq.u32;
	_ =	sdelay $0x2  }
0x15f: {  	vm0 =	vmmov $0xf  }
0x160: {  	s26 =	simm.s32 $0x6100;
	v4 =	vnsel vm0, $0x0, v1  }
0x161: {  	v3 =	vld [tilespmem:$0x5100];
	[tilespmem:v0+s26+$0x0] =	vst.idx.msk $0xf, v4  }
0x162: {  	v29 =	vld [tilespmem:$0x5280]  }
0x163: {  	v2 =	vadd.s32 $0x4, v0;
	_ =	sdelay $0x3  }
0x164: {  	v6 =	vnsel vm0, $0x0, v29  }
0x165: {  	v5 =	vld [tilespmem:$0x5200];
	[tilespmem:v2+s26+$0x0] =	vst.idx.msk $0xf, v6  }
0x166: {  	v30 =	vld [tilespmem:$0x5380]  }
0x167: {  	v31 =	vadd.s32 $0x8, v0;
	_ =	sdelay $0x3  }
0x168: {  	v8 =	vnsel vm0, $0x0, v30  }
0x169: {  	v7 =	vld [tilespmem:$0x5300];
	[tilespmem:v31+s26+$0x0] =	vst.idx.msk $0xf, v8  }
0x16a: {  	v32 =	vld [tilespmem:$0x5480]  }
0x16b: {  	v33 =	vadd.s32 $0xC, v0;
	_ =	sdelay $0x3  }
0x16c: {  	v10 =	vnsel vm0, $0x0, v32  }
0x16d: {  	v9 =	vld [tilespmem:$0x5400];
	[tilespmem:v33+s26+$0x0] =	vst.idx.msk $0xf, v10  }
0x16e: {  	v34 =	vld [tilespmem:$0x5580]  }
0x16f: {  	v35 =	vor.u32 $0x10, v0;
	_ =	sdelay $0x3  }
0x170: {  	v12 =	vnsel vm0, $0x0, v34  }
0x171: {  	v11 =	vld [tilespmem:$0x5500];
	[tilespmem:v35+s26+$0x0] =	vst.idx.msk $0xf, v12  }
0x172: {  	v36 =	vld [tilespmem:$0x5680]  }
0x173: {  	v37 =	vadd.s32 $0x14, v0;
	_ =	sdelay $0x3  }
0x174: {  	v14 =	vnsel vm0, $0x0, v36  }
0x175: {  	v13 =	vld [tilespmem:$0x5600];
	[tilespmem:v37+s26+$0x0] =	vst.idx.msk $0xf, v14  }
0x176: {  	v38 =	vld [tilespmem:$0x5780]  }
0x177: {  	v39 =	vadd.s32 $0x18, v0;
	_ =	sdelay $0x3  }
0x178: {  	v16 =	vnsel vm0, $0x0, v38  }
0x179: {  	v15 =	vld [tilespmem:$0x5700];
	[tilespmem:v39+s26+$0x0] =	vst.idx.msk $0xf, v16  }
0x17a: {  	v40 =	vld [tilespmem:$0x5880]  }
0x17b: {  	v41 =	vadd.s32 $0x1C, v0;
	_ =	sdelay $0x3  }
0x17c: {  	v18 =	vnsel vm0, $0x0, v40  }
0x17d: {  	v17 =	vld [tilespmem:$0x5800];
	[tilespmem:v41+s26+$0x0] =	vst.idx.msk $0xf, v18  }
0x17e: {  	v42 =	vld [tilespmem:$0x5980]  }
0x17f: {  	v43 =	vor.u32 $0x20, v0;
	_ =	sdelay $0x3  }
0x180: {  	v20 =	vnsel vm0, $0x0, v42  }
0x181: {  	v19 =	vld [tilespmem:$0x5900];
	[tilespmem:v43+s26+$0x0] =	vst.idx.msk $0xf, v20  }
0x182: {  	v44 =	vld [tilespmem:$0x5A80]  }
0x183: {  	v21 =	vadd.s32 $0x24, v0;
	_ =	sdelay $0x3  }
0x184: {  	v2 =	vnsel vm0, $0x0, v44  }
0x185: {  	v22 =	vld [tilespmem:$0x5A00];
	[tilespmem:v21+s26+$0x0] =	vst.idx.msk $0xf, v2  }
0x186: {  	v45 =	vld [tilespmem:$0x5B80]  }
0x187: {  	v46 =	vadd.s32 $0x28, v0;
	_ =	sdelay $0x3  }
0x188: {  	v1 =	vnsel vm0, $0x0, v45  }
0x189: {  	v23 =	vld [tilespmem:$0x5B00];
	[tilespmem:v46+s26+$0x0] =	vst.idx.msk $0xf, v1  }
0x18a: {  	v21 =	vld [tilespmem:$0x5C80]  }
0x18b: {  	v24 =	vadd.s32 $0x2C, v0;
	_ =	sdelay $0x1  }
0x18c: {  	v3 =	vnsel vm0, $0xF149F2CA, v3  }
0x18d: {  	vm1 =	vgt.f32 v3, $-3.000000010e+38  }
0x18e: {  	v25 =	vnsel vm1, $0xFF61B1E6, v3;
	v5 =	vnsel vm0, $0xF149F2CA, v5;
	v3 =	vnsel vm0, $0x0, v21  }
0x18f: {  	vm5 =	vgt.f32 v5, v25;
	v26 =	vld [tilespmem:$0x5C00];
	[tilespmem:v24+s26+$0x0] =	vst.idx.msk $0xf, v3  }
0x190: {  	v5 =	vsel vm5, v5, v25;
	v7 =	vnsel vm0, $0xF149F2CA, v7;
	v47 =	vld [tilespmem:$0x5D80]  }
0x191: {  	v48 =	vor.u32 $0x30, v0;
	vm6 =	vgt.f32 v7, v5  }
0x192: {  	v5 =	vsel vm6, v7, v5;
	v49 =	vnsel vm0, $0xF149F2CA, v9  }
0x193: {  	vm7 =	vgt.f32 v49, v5  }
0x194: {  	v5 =	vsel vm7, v49, v5;
	v50 =	vnsel vm0, $0xF149F2CA, v11  }
0x195: {  	vm8 =	vgt.f32 v50, v5;
	v11 =	vnsel vm0, $0x0, v47  }
0x196: {  	v5 =	vsel vm8, v50, v5;
	v52 =	vnsel vm0, $0xF149F2CA, v13;
	v51 =	vld [tilespmem:$0x5D00];
	[tilespmem:v48+s26+$0x0] =	vst.idx.msk $0xf, v11  }
0x197: {  	vm3 =	vgt.f32 v52, v5;
	v53 =	vld [tilespmem:$0x5E80]  }
0x198: {  	v55 =	vadd.s32 $0x34, v0;
	v5 =	vsel vm3, v52, v5;
	v54 =	vnsel vm0, $0xF149F2CA, v15  }
0x199: {  	vm11 =	vgt.f32 v54, v5  }
0x19a: {  	v5 =	vsel vm11, v54, v5;
	v56 =	vnsel vm0, $0xF149F2CA, v17  }
0x19b: {  	vm1 =	vgt.f32 v56, v5  }
0x19c: {  	v5 =	vsel vm1, v56, v5;
	v57 =	vnsel vm0, $0xF149F2CA, v19;
	v13 =	vnsel vm0, $0x0, v53  }
0x19d: {  	vm2 =	vgt.f32 v57, v5;
	v58 =	vld [tilespmem:$0x5E00];
	[tilespmem:v55+s26+$0x0] =	vst.idx.msk $0xf, v13  }
0x19e: {  	v5 =	vsel vm2, v57, v5;
	v59 =	vnsel vm0, $0xF149F2CA, v22;
	v15 =	vld [tilespmem:$0x5F80]  }
0x19f: {  	v60 =	vadd.s32 $0x38, v0;
	vm4 =	vgt.f32 v59, v5  }
0x1a0: {  	v5 =	vsel vm4, v59, v5;
	v61 =	vnsel vm0, $0xF149F2CA, v23  }
0x1a1: {  	vm9 =	vgt.f32 v61, v5  }
0x1a2: {  	v5 =	vsel vm9, v61, v5;
	v62 =	vnsel vm0, $0xF149F2CA, v26  }
0x1a3: {  	vm10 =	vgt.f32 v62, v5;
	v63 =	vld [tilespmem:$0x5F00];
	v15 =	vnsel vm0, $0x0, v15  }
0x1a4: {  	v5 =	vsel vm10, v62, v5;
	v24 =	vnsel vm0, $0xF149F2CA, v51;
	[tilespmem:v60+s26+$0x0] =	vst.idx.msk $0xf, v15  }
0x1a5: {  	v25 =	vadd.f32 $0.0e+00, v4;
	vm12 =	vgt.f32 v24, v5;
	v19 =	vld [tilespmem:$0x6000]  }
0x1a6: {  	v5 =	vsel vm12, v24, v5;
	v26 =	vnsel vm0, $0xF149F2CA, v58  }
0x1a7: {  	v9 =	vadd.f32 v6, v25;
	vm13 =	vgt.f32 v26, v5  }
0x1a8: {  	v5 =	vsel vm13, v26, v5;
	v27 =	vnsel vm0, $0xF149F2CA, v63  }
0x1a9: {  	v29 =	vor.u32 $0x80000000, v0;
	v9 =	vadd.f32 v8, v9;
	vm14 =	vgt.f32 v27, v5  }
0x1aa: {  	v4 =	vmax.f32 v4, $0.0e+00;
	v5 =	vsel vm14, v27, v5;
	v28 =	vnsel vm0, $0xF149F2CA, v19  }
0x1ab: {  	v30 =	vadd.s32 $0x80000004, v0;
	v9 =	vadd.f32 v10, v9;
	vm15 =	vgt.f32 v28, v5  }
0x1ac: {  	v4 =	vmax.f32 v4, v6;
	v31 =	vsel vm5, v30, v29;
	v5 =	vsel vm15, v28, v5  }
0x1ad: {  	v4 =	vmax.f32 v4, v8;
	v33 =	vadd.s32 $0x80000008, v0;
	v32 =	vadd.f32 v12, v9;
	(xrf0) =	vmax.scan.msk.f32 $0xffff, v5  }
0x1ae: {  	v4 =	vmax.f32 v4, v10;
	v6 =	vsel vm6, v33, v31;
	v34 =	vadd.s32 $0x8000000C, v0  }
0x1af: {  	v6 =	vsel vm7, v34, v6;
	v36 =	vor.u32 $0x80000010, v0;
	v7 =	vadd.f32 v14, v32;
	v35 =	vld [tilespmem:$0x6080]  }
0x1b0: {  	v4 =	vmax.f32 v4, v12;
	v6 =	vsel vm8, v36, v6;
	v37 =	vadd.s32 $0x3C, v0  }
0x1b1: {  	v4 =	vmax.f32 v4, v14;
	v38 =	vadd.s32 $0x80000014, v0;
	v7 =	vadd.f32 v16, v7  }
0x1b2: {  	v4 =	vmax.f32 v4, v16;
	v6 =	vsel vm3, v38, v6;
	v40 =	vadd.s32 $0x80000018, v0  }
0x1b3: {  	v6 =	vsel vm11, v40, v6;
	v7 =	vadd.f32 v18, v7;
	v4 =	vmax.f32 v4, v18;
	v39, _, _ =	vpop (xrf0)  }
0x1b4: {  	v41 =	vadd.s32 $0x8000001C, v0;
	v8 =	vnsel vm0, $0x0, v35;
	v10 =	vbroadcast v39, $0xF  }
0x1b5: {  	v6 =	vsel vm1, v41, v6;
	v42 =	vor.u32 $0x80000020, v0;
	v7 =	vadd.f32 v20, v7;
	[tilespmem:v37+s26+$0x0] =	vst.idx.msk $0xf, v8  }
0x1b6: {  	v43 =	vadd.s32 $0x80000024, v0;
	v9 =	vld [tilespmem:$0x6200];
	vm11 =	veq.f32 v5, v10;
	v5 =	vsel vm2, v42, v6  }
0x1b7: {  	v4 =	vmax.f32 v4, v20;
	v44 =	vadd.s32 $0x80000028, v0;
	v5 =	vsel vm4, v43, v5  }
0x1b8: {  	v4 =	vmax.f32 v4, v2;
	v45 =	vadd.s32 $0x8000002C, v0;
	v5 =	vsel vm9, v44, v5  }
0x1b9: {  	v4 =	vmax.f32 v4, v1;
	v46 =	vor.u32 $0x80000030, v0;
	v5 =	vsel vm10, v45, v5  }
0x1ba: {  	v4 =	vmax.f32 v4, v3;
	v47 =	vadd.s32 $0x80000034, v0;
	v5 =	vsel vm12, v46, v5  }
0x1bb: {  	v48 =	vadd.s32 $0x80000038, v0;
	v9 =	vsub.f32 $0.0e+00, v9;
	v5 =	vsel vm13, v47, v5  }
0x1bc: {  	v4 =	vmax.f32 v4, v11;
	v0 =	vadd.s32 $0x8000003C, v0;
	v5 =	vsel vm14, v48, v5  }
0x1bd: {  	v4 =	vmax.f32 v4, v13;
	v49 =	vmul.f32 $1.442695020e+00, v9;
	v0 =	vsel vm15, v0, v5  }
0x1be: {  	v2 =	vadd.f32 v2, v7;
	v4 =	vmax.f32 v4, v15;
	v0 =	vnsel vm11, $0xC0000000, v0  }
0x1bf: {  	v50 =	vmax.f32 v4, v8;
	(erf) = vpow2.f32 v49;
	(xrf0) =	vmin.scan.msk.u32 $0xffff, v0  }
0x1c0: {  	v1 =	vadd.f32 v1, v2;
	(xrf0) =	vmax.scan.msk.f32 $0xffff, v50;
	_ =	sdelay $0x1  }
0x1c1: {  	v51 =	vadd.f32 v3, v1;
	_ =	sdelay $0x1  }
0x1c2: {  	v0 =	vadd.f32 v11, v51  }
0x1c3: {  	v52, _, _ =	vpop (xrf0)  }
0x1c4: {  	v0 =	vadd.f32 v13, v0;
	v53, _, _ =	vpop (xrf0)  }
0x1c5: {  	v2 =	vbroadcast v53, $0xF  }
0x1c6: {  	v54 =	vpop (erf);
	v0 =	vadd.f32 v15, v0  }
0x1c7: {  	v2 =	vmul.f32 v54, v2  }
0x1c8: {  	vm15 =	vmmov $0x1;
	v0 =	vadd.f32 v8, v0  }
0x1c9: {  	v2 =	vnsel vm15, $0x0, v2  }
0x1ca: {  	v0 =	vadd.f32 v2, v0;
	_ =	sdelay $0x1  }
0x1cb: {  	(xrf2) =	vadd.scan.msk.f32 $0xffff, v0;
	_ =	sdelay $0x5  }
0x1cc: {  	(v2sf) =	vpush v52, $0xF;
	_ =	sdelay $0x3  }
0x1cd: {  	v0, _, _ =	vpop (xrf2)  }
0x1ce: {  	v0 =	vbroadcast v0, $0xF;
	_ =	sdelay $0x1  }
0x1cf: {  	(erf) = vrcp.f32 v0;
	_ =	sdelay $0x4  }
0x1d0: {  	v55 =	vld [tilespmem:$0x6100]  }
0x1d1: {  	v56 =	vld [tilespmem:$0x6110]  }
0x1d2: {  	v57 =	vld [tilespmem:$0x6120]  }
0x1d3: {  	v58 =	vld [tilespmem:$0x6130];
	s28 =	spop (v2sf)  }
0x1d4: {  	s4 =	sxor.u32 $0x80000000, s28;
	v59 =	vpop (erf)  }
0x1d5: {  	v63 =	vmov s4;
	v0 =	vmul.f32 v59, v55  }
0x1d6: {  	[tilespmem:$0x6180] =	vst v63;
	v1 =	vmul.f32 v59, v56  }
0x1d7: {  	v60 =	vmul.f32 v59, v57;
	[tilespmem:$0x6100] =	vst v0  }
0x1d8: {  	v61 =	vmul.f32 v59, v58;
	[tilespmem:$0x6110] =	vst v1  }
0x1d9: {  	v62 =	vmul.f32 v59, v2;
	[tilespmem:$0x6120] =	vst v60  }
0x1da: {  	[tilespmem:$0x6130] =	vst v61  }
0x1db: {  	[tilespmem:$0x6140] =	vst v62  }
0x1dc: {  	[hbm4b:s1+s5] =	stream.linear.scatter [tilespmem:s26], [sflag:$0x5], $0x80, $0x38;
	[tilespmem:$0x6280] =	vst v63  }
0x1dd: {  	s29 =	simm.s32 $0x6180;
	s30 =	simm.s32 $0x5  }
0x1de: {  	[hbm4b:s2+s5] =	stream.linear.scatter [tilespmem:s29], [sflag:$0x6], $0x80, $0x38;
	[tilespmem:$0x6280] =	vst v63  }
0x1df: {  	_ =	swait.ge [sflag:s30], $0x80  }
0x1e0: {  	[sflag:s30] =	ssyncset.done $0x0  }
0x1e1: {  	s31 =	simm.s32 $0x6;
	[sflag:s30] =	ssyncadd.s32 $0xFFFFFF80  }
0x1e2: {  	_ =	swait.ge [sflag:s31], $0x80  }
0x1e3: {  	[sflag:s31] =	ssyncset.done $0x0  }
0x1e4: {  	[sflag:s31] =	ssyncadd.s32 $0xFFFFFF80  }
0x1e5: {  	_ =	sfence.sel $0x180000  }
0x1e6: {  	[bflag:$0x0] =	sbarrier.arrive $0xFFFF  }
0x1e7: {  	_ =	strace $0x90000047  }
0x1e8: {  	s0 =	sadd.s32 $0x100000, s0;
	[bflag:$0x2] =	sbarrier.arrive $0xFFFF  }
0x1e9: {  	[sflag:s0] =	ssyncadd.tile.s32 $0x1;
	_ =	shalt  }
.Lfunc_end2:
_tile_overlayer_lowered:
.L_overlay_start_2:
0x1ea: {  	(tag) =	ssettag $0x2  }
0x1eb: {  	s0 =	rddreg [dreg:$0x0];
	s2 =	stileid.u32  }
0x1ec: {  	s1 =	rddreg [dreg:$0x1];
	p0 =	sne.s32 s2, $0x0  }
0x1ed: {  	s3 =	rddreg [dreg:$0x2];
	[bflag:$0x3] =	sbarrier.arrive $0xFFFF;
	s2 =	simm.s32 @!p0 $0x1C07  }
0x1ee: {  	[timem:s3], [sflag:s2] =	dma.local @!p0 [hbm:s0], s1  }
0x1ef: {  	s0 =	simm.s32 @!p0 $0x7  }
0x1f0: {  	_ =	swait.ge @!p0 [sflag:s0], s1  }
0x1f1: {  	s1 =	ssub.s32 @!p0 $0x0, s1;
	[sflag:s0] =	ssyncset.done @!p0 $0x0  }
0x1f2: {  	[sflag:s0] =	ssyncadd.s32 @!p0 s1  }
0x1f3: {  	[bflag:$0x3] =	sbarrier.arrive $0xFFFF  }
0x1f4: {  	_ =	shalt  }

</sc_bundles>
